<compile_context>
chip_gen: v7x
topology: tpu7x:2x2x1
jax: 0.10.2.dev20260603
libtpu: 0.0.44.dev20260713+nightly
codegen_flags: <defaults>
</compile_context>

<pallas_src>
import functools

import jax
import jax.numpy as jnp
from jax import lax
from jax.experimental import pallas as pl
from jax.experimental.pallas import tpu as pltpu
from jax.experimental.pallas import tpu_sc as plsc

N_EXPERTS = 8
TOKENS = 4096
D_IN = 1024
D_OUT = 1024

BLK = 256
MAXB = TOKENS // BLK + N_EXPERTS - 1
PAD_ROWS = MAXB * BLK

NW = 32
ROWS_PER_W = TOKENS // NW
CHUNK = 32
NCH = ROWS_PER_W // CHUNK


def _sc_mesh():
    return plsc.VectorSubcoreMesh(core_axis_name="c", subcore_axis_name="s")


def _sc_scatter_body(src_hbm, dest_hbm, out_hbm,
                     idx0, idx1, rows0, rows1, ls0, ls1, ss0, ss1):
    wid = lax.axis_index("s") * 2 + lax.axis_index("c")
    base = wid * ROWS_PER_W
    idxs, rows = [idx0, idx1], [rows0, rows1]
    lsems, ssems = [ls0, ls1], [ss0, ss1]
    loads = [None, None]
    scats = [None, None]
    pltpu.sync_copy(dest_hbm.at[pl.ds(base, CHUNK)], idx0)
    loads[0] = pltpu.async_copy(src_hbm.at[pl.ds(base, CHUNK)], rows0, ls0)
    for c in range(NCH):
        k = c % 2
        loads[k].wait()
        n = c + 1
        if n < NCH:
            kn = n % 2
            if scats[kn] is not None:
                scats[kn].wait()
            cb = base + n * CHUNK
            pltpu.sync_copy(dest_hbm.at[pl.ds(cb, CHUNK)], idxs[kn])
            loads[kn] = pltpu.async_copy(
                src_hbm.at[pl.ds(cb, CHUNK)], rows[kn], lsems[kn])
        scats[k] = pltpu.async_copy(rows[k], out_hbm.at[idxs[k]], ssems[k])
    scats[(NCH - 1) % 2].wait()
    scats[NCH % 2].wait()


def _sc_scatter_rows(src, dest):
    kern = functools.partial(
        pl.kernel,
        out_type=jax.ShapeDtypeStruct((PAD_ROWS, D_IN), jnp.float32),
        mesh=_sc_mesh(),
        scratch_types=[
            pltpu.VMEM((CHUNK,), jnp.int32),
            pltpu.VMEM((CHUNK,), jnp.int32),
            pltpu.VMEM((CHUNK, D_IN), jnp.float32),
            pltpu.VMEM((CHUNK, D_IN), jnp.float32),
            pltpu.SemaphoreType.DMA,
            pltpu.SemaphoreType.DMA,
            pltpu.SemaphoreType.DMA,
            pltpu.SemaphoreType.DMA,
        ],
    )(_sc_scatter_body)
    return kern(src, dest)


def _sc_gather_body(src_hbm, dest_hbm, out_hbm,
                    idx0, idx1, rows0, rows1, ls0, ls1):
    wid = lax.axis_index("s") * 2 + lax.axis_index("c")
    base = wid * ROWS_PER_W
    idxs, rows = [idx0, idx1], [rows0, rows1]
    lsems = [ls0, ls1]
    gaths = [None, None]
    pltpu.sync_copy(dest_hbm.at[pl.ds(base, CHUNK)], idx0)
    gaths[0] = pltpu.async_copy(src_hbm.at[idx0], rows0, ls0)
    for c in range(NCH):
        k = c % 2
        n = c + 1
        if n < NCH:
            kn = n % 2
            cb = base + n * CHUNK
            pltpu.sync_copy(dest_hbm.at[pl.ds(cb, CHUNK)], idxs[kn])
            gaths[kn] = pltpu.async_copy(src_hbm.at[idxs[kn]], rows[kn],
                                         lsems[kn])
        gaths[k].wait()
        pltpu.sync_copy(rows[k], out_hbm.at[pl.ds(base + c * CHUNK, CHUNK)])


def _sc_gather_rows(src, dest):
    kern = functools.partial(
        pl.kernel,
        out_type=jax.ShapeDtypeStruct((TOKENS, D_OUT), jnp.float32),
        mesh=_sc_mesh(),
        scratch_types=[
            pltpu.VMEM((CHUNK,), jnp.int32),
            pltpu.VMEM((CHUNK,), jnp.int32),
            pltpu.VMEM((CHUNK, D_OUT), jnp.float32),
            pltpu.VMEM((CHUNK, D_OUT), jnp.float32),
            pltpu.SemaphoreType.DMA,
            pltpu.SemaphoreType.DMA,
        ],
    )(_sc_gather_body)
    return kern(src, dest)


def _mm_body(meta_ref, xs_ref, w_ref, b_ref, out_ref):
    s = pl.program_id(0)
    nb = meta_ref[2, 0]

    @pl.when(s < nb)
    def _compute():
        y = lax.dot_general(
            xs_ref[...].astype(jnp.bfloat16),
            w_ref[0].astype(jnp.bfloat16),
            (((1,), (1,)), ((), ())),
            preferred_element_type=jnp.float32,
        )
        out_ref[...] = y + b_ref[0, 0, :][None, :]


def _grouped_matmul(x_pad, W, b, meta):
    grid_spec = pltpu.PrefetchScalarGridSpec(
        num_scalar_prefetch=1,
        grid=(MAXB,),
        in_specs=[
            pl.BlockSpec((BLK, D_IN), lambda s, m: (m[0, s], 0)),
            pl.BlockSpec((1, D_OUT, D_IN), lambda s, m: (m[1, s], 0, 0)),
            pl.BlockSpec((1, 1, D_OUT), lambda s, m: (m[1, s], 0, 0)),
        ],
        out_specs=pl.BlockSpec((BLK, D_OUT), lambda s, m: (m[0, s], 0)),
    )
    return pl.pallas_call(
        _mm_body,
        grid_spec=grid_spec,
        out_shape=jax.ShapeDtypeStruct((PAD_ROWS, D_OUT), jnp.float32),
    )(meta, x_pad, W, b.reshape(N_EXPERTS, 1, D_OUT))


def _routing_metadata(p):
    onehot = (p[:, None] == jnp.arange(N_EXPERTS, dtype=jnp.int32)[None, :])
    oh32 = onehot.astype(jnp.int32)
    counts = jnp.sum(oh32, axis=0)
    rank = jnp.sum((jnp.cumsum(oh32, axis=0) - 1) * oh32, axis=1)
    blocks_per_e = (counts + BLK - 1) // BLK
    pb = jnp.concatenate([jnp.zeros((1,), jnp.int32),
                          jnp.cumsum(blocks_per_e).astype(jnp.int32)])
    dest = pb[p] * BLK + rank
    nb = pb[N_EXPERTS]

    steps = jnp.arange(MAXB, dtype=jnp.int32)
    block_ids = jnp.minimum(steps, nb - 1)
    expert_ids = jnp.sum(
        (block_ids[:, None] >= pb[None, 1:]).astype(jnp.int32), axis=1)
    nbv = jnp.full((MAXB,), nb, dtype=jnp.int32)
    meta = jnp.stack([block_ids, expert_ids, nbv]).astype(jnp.int32)
    return dest.astype(jnp.int32), meta


def kernel(input, partitions, W, b):
    input_shape = input.shape
    x = input.reshape(-1, input_shape[-1])
    p = partitions.reshape(-1).astype(jnp.int32)

    dest, meta = _routing_metadata(p)
    x_pad = _sc_scatter_rows(x, dest)
    out_pad = _grouped_matmul(x_pad, W, b, meta)
    out = _sc_gather_rows(out_pad, dest)
    return out.reshape(tuple(input_shape[:-1]) + (W.shape[1],))

# --- scband reference (transcript-rebuilt; emitter-appended) ---
"""Pipeline reference for scband-affine-83811991814659 (READ-ONLY COPY).

The authoritative reference and input builder live on the scoring server;
editing this copy changes nothing except your own understanding.
"""

import jax, jax.numpy as jnp
import numpy as np

N_EXPERTS = 8
TOKENS = 4096
D_IN = 1024
D_OUT = 1024


def setup_inputs(seed: int = 0) -> dict:
    key = jax.random.key(seed)
    k1, k2, k3, k4 = jax.random.split(key, 4)
    x = jax.random.normal(k1, (TOKENS, D_IN), dtype=jnp.float32)
    partitions = jax.random.randint(k2, (TOKENS,), 0, N_EXPERTS, dtype=jnp.int64)
    # per-expert weights, kaiming-uniform-like scale
    bound_w = float(np.sqrt(1.0 / D_IN))
    W = jax.random.uniform(k3, (N_EXPERTS, D_OUT, D_IN), dtype=jnp.float32, minval=-bound_w, maxval=bound_w)
    b = jax.random.uniform(k4, (N_EXPERTS, D_OUT), dtype=jnp.float32, minval=-bound_w, maxval=bound_w)
    return {"input": x, "partitions": partitions, "W": W, "b": b}


def reference(input, partitions, W, b):
    # Faithful translation of Affine.forward with n > 1:
    # tokens are dynamically partitioned by expert id, each expert applies its
    # own Linear, and results are stitched back in original token order.
    # Equivalent dense formulation: per-token select the expert output.
    input_shape = input.shape
    x = input.reshape(-1, input_shape[-1])
    p = partitions.reshape(-1)
    n = W.shape[0]
    out = jnp.zeros((x.shape[0], W.shape[1]), dtype=x.dtype)
    for i in range(n):
        yi = x @ W[i].T + b[i]
        mask = (p == i)[:, None]
        out = jnp.where(mask, yi, out)
    result = out.reshape(tuple(input_shape[:-1]) + (W.shape[1],))
    return result


if False:  # reference __main__ guard neutralized (emitter)
    inp = setup_inputs()
    y = reference(**inp)
    print(y.shape, y.dtype)

if __name__ == "__main__":
    import jax
    _d = setup_inputs()
    print(jax.jit(kernel)(*tuple(_d.values())))

</pallas_src>

<mosaic_0001>
#map = affine_map<(d0, d1) -> (0, 0)>
#map1 = affine_map<(d0, d1) -> (0)>
module attributes {stable_mosaic.version = 14 : i64} {
  func.func @_sc_gather_body(%arg0: i32, %arg1: i32, %arg2: memref<5888x1024xf32, #tpu.memory_space<hbm>>, %arg3: memref<4096xi32, #tpu.memory_space<hbm>>, %arg4: memref<4096x1024xf32, #tpu.memory_space<hbm>>, %arg5: memref<32xi32, #tpu.memory_space<vmem>>, %arg6: memref<32xi32, #tpu.memory_space<vmem>>, %arg7: memref<32x1024xf32, #tpu.memory_space<vmem>>, %arg8: memref<32x1024xf32, #tpu.memory_space<vmem>>, %arg9: memref<!tpu.dma_semaphore, #tpu.memory_space<semaphore_mem>>, %arg10: memref<!tpu.dma_semaphore, #tpu.memory_space<semaphore_mem>>) attributes {dimension_semantics = [#tpu.dimension_semantics<core_parallel>, #tpu.dimension_semantics<subcore_parallel>], iteration_bounds = array<i64: 2, 16>, scalar_prefetch = 0 : i64, scratch_operands = 6 : i64, tpu.core_type = #tpu.core_type<sc_vector_subcore>, window_params = [{transform_indices = #map}, {transform_indices = #map1}, {transform_indices = #map}]} {
    %mul3A = arith.constant 2 : i32
    %mul3A_0 = arith.muli %arg1, %mul3A : i32
    %add3A = arith.addi %mul3A_0, %arg0 : i32
    %mul3A_1 = arith.constant 128 : i32
    %mul3A_2 = arith.muli %add3A, %mul3A_1 : i32
    "tpu.region"() ({
      %run_scoped3A = tpu.sem_alloc : memref<!tpu.dma_semaphore, #tpu.memory_space<semaphore_mem>>
      %dma_start3A_39 = tpu.memref_slice %arg3[%mul3A_2] : memref<4096xi32, #tpu.memory_space<hbm>> -> memref<32xi32, #tpu.memory_space<hbm>>
      %dma_start3A_40 = tpu.memref_slice %arg3[%mul3A_2] : memref<4096xi32, #tpu.memory_space<hbm>> -> memref<32xi32, #tpu.memory_space<hbm>>
      tpu.enqueue_dma source(%dma_start3A_40 : memref<32xi32, #tpu.memory_space<hbm>>) target(%arg5 : memref<32xi32, #tpu.memory_space<vmem>>) target_semaphore(%run_scoped3A : memref<!tpu.dma_semaphore, #tpu.memory_space<semaphore_mem>>)
      %dma_wait3A_41 = tpu.memref_slice %arg3[%mul3A_2] : memref<4096xi32, #tpu.memory_space<hbm>> -> memref<32xi32, #tpu.memory_space<hbm>>
      %dma_wait3A_42 = tpu.memref_slice %arg3[%mul3A_2] : memref<4096xi32, #tpu.memory_space<hbm>> -> memref<32xi32, #tpu.memory_space<hbm>>
      tpu.wait_dma2 semaphore(%run_scoped3A : memref<!tpu.dma_semaphore, #tpu.memory_space<semaphore_mem>>) src(%dma_wait3A_42 : memref<32xi32, #tpu.memory_space<hbm>>) dst(%arg5 : memref<32xi32, #tpu.memory_space<vmem>>)
      tpu.yield
    }) : () -> ()
    %dma_start3A = arith.constant 0 : i32
    %dma_start3A_3 = arith.constant 0 : i32
    %dma_start3A_4 = tpu.memref_slice %arg2[%dma_start3A, %dma_start3A_3] : memref<5888x1024xf32, #tpu.memory_space<hbm>> -> memref<5888x1024xf32, #tpu.memory_space<hbm>>
    tpu.enqueue_indirect_dma source(%dma_start3A_4 : memref<5888x1024xf32, #tpu.memory_space<hbm>>) target(%arg7 : memref<32x1024xf32, #tpu.memory_space<vmem>>) offsets(%arg5 : memref<32xi32, #tpu.memory_space<vmem>>) semaphore(%arg9 : memref<!tpu.dma_semaphore, #tpu.memory_space<semaphore_mem>>)
    %add3A_5 = arith.constant 32 : i32
    %add3A_6 = arith.addi %mul3A_2, %add3A_5 : i32
    "tpu.region"() ({
      %run_scoped3A = tpu.sem_alloc : memref<!tpu.dma_semaphore, #tpu.memory_space<semaphore_mem>>
      %dma_start3A_39 = tpu.memref_slice %arg3[%add3A_6] : memref<4096xi32, #tpu.memory_space<hbm>> -> memref<32xi32, #tpu.memory_space<hbm>>
      %dma_start3A_40 = tpu.memref_slice %arg3[%add3A_6] : memref<4096xi32, #tpu.memory_space<hbm>> -> memref<32xi32, #tpu.memory_space<hbm>>
      tpu.enqueue_dma source(%dma_start3A_40 : memref<32xi32, #tpu.memory_space<hbm>>) target(%arg6 : memref<32xi32, #tpu.memory_space<vmem>>) target_semaphore(%run_scoped3A : memref<!tpu.dma_semaphore, #tpu.memory_space<semaphore_mem>>)
      %dma_wait3A_41 = tpu.memref_slice %arg3[%add3A_6] : memref<4096xi32, #tpu.memory_space<hbm>> -> memref<32xi32, #tpu.memory_space<hbm>>
      %dma_wait3A_42 = tpu.memref_slice %arg3[%add3A_6] : memref<4096xi32, #tpu.memory_space<hbm>> -> memref<32xi32, #tpu.memory_space<hbm>>
      tpu.wait_dma2 semaphore(%run_scoped3A : memref<!tpu.dma_semaphore, #tpu.memory_space<semaphore_mem>>) src(%dma_wait3A_42 : memref<32xi32, #tpu.memory_space<hbm>>) dst(%arg6 : memref<32xi32, #tpu.memory_space<vmem>>)
      tpu.yield
    }) : () -> ()
    %dma_start3A_7 = arith.constant 0 : i32
    %dma_start3A_8 = arith.constant 0 : i32
    %dma_start3A_9 = tpu.memref_slice %arg2[%dma_start3A_7, %dma_start3A_8] : memref<5888x1024xf32, #tpu.memory_space<hbm>> -> memref<5888x1024xf32, #tpu.memory_space<hbm>>
    tpu.enqueue_indirect_dma source(%dma_start3A_9 : memref<5888x1024xf32, #tpu.memory_space<hbm>>) target(%arg8 : memref<32x1024xf32, #tpu.memory_space<vmem>>) offsets(%arg6 : memref<32xi32, #tpu.memory_space<vmem>>) semaphore(%arg10 : memref<!tpu.dma_semaphore, #tpu.memory_space<semaphore_mem>>)
    %dma_wait3A = arith.constant 0 : i32
    %dma_wait3A_10 = arith.constant 0 : i32
    %dma_wait3A_11 = tpu.memref_slice %arg2[%dma_wait3A, %dma_wait3A_10] : memref<5888x1024xf32, #tpu.memory_space<hbm>> -> memref<5888x1024xf32, #tpu.memory_space<hbm>>
    tpu.wait_indirect_dma semaphore(%arg9 : memref<!tpu.dma_semaphore, #tpu.memory_space<semaphore_mem>>) src(%dma_wait3A_11 : memref<5888x1024xf32, #tpu.memory_space<hbm>>) dst(%arg7 : memref<32x1024xf32, #tpu.memory_space<vmem>>)
    %add3A_12 = arith.constant 0 : i32
    %add3A_13 = arith.addi %mul3A_2, %add3A_12 : i32
    "tpu.region"() ({
      %run_scoped3A = tpu.sem_alloc : memref<!tpu.dma_semaphore, #tpu.memory_space<semaphore_mem>>
      %dma_start3A_39 = arith.constant 0 : i32
      %dma_start3A_40 = tpu.memref_slice %arg4[%add3A_13, %dma_start3A_39] : memref<4096x1024xf32, #tpu.memory_space<hbm>> -> memref<32x1024xf32, #tpu.memory_space<hbm>>
      %dma_start3A_41 = arith.constant 0 : i32
      %dma_start3A_42 = tpu.memref_slice %arg4[%add3A_13, %dma_start3A_41] : memref<4096x1024xf32, #tpu.memory_space<hbm>> -> memref<32x1024xf32, #tpu.memory_space<hbm>>
      tpu.enqueue_dma source(%arg7 : memref<32x1024xf32, #tpu.memory_space<vmem>>) target(%dma_start3A_42 : memref<32x1024xf32, #tpu.memory_space<hbm>>) target_semaphore(%run_scoped3A : memref<!tpu.dma_semaphore, #tpu.memory_space<semaphore_mem>>)
      %dma_wait3A_43 = arith.constant 0 : i32
      %dma_wait3A_44 = tpu.memref_slice %arg4[%add3A_13, %dma_wait3A_43] : memref<4096x1024xf32, #tpu.memory_space<hbm>> -> memref<32x1024xf32, #tpu.memory_space<hbm>>
      %dma_wait3A_45 = arith.constant 0 : i32
      %dma_wait3A_46 = tpu.memref_slice %arg4[%add3A_13, %dma_wait3A_45] : memref<4096x1024xf32, #tpu.memory_space<hbm>> -> memref<32x1024xf32, #tpu.memory_space<hbm>>
      tpu.wait_dma2 semaphore(%run_scoped3A : memref<!tpu.dma_semaphore, #tpu.memory_space<semaphore_mem>>) src(%arg7 : memref<32x1024xf32, #tpu.memory_space<vmem>>) dst(%dma_wait3A_46 : memref<32x1024xf32, #tpu.memory_space<hbm>>)
      tpu.yield
    }) : () -> ()
    %add3A_14 = arith.constant 64 : i32
    %add3A_15 = arith.addi %mul3A_2, %add3A_14 : i32
    "tpu.region"() ({
      %run_scoped3A = tpu.sem_alloc : memref<!tpu.dma_semaphore, #tpu.memory_space<semaphore_mem>>
      %dma_start3A_39 = tpu.memref_slice %arg3[%add3A_15] : memref<4096xi32, #tpu.memory_space<hbm>> -> memref<32xi32, #tpu.memory_space<hbm>>
      %dma_start3A_40 = tpu.memref_slice %arg3[%add3A_15] : memref<4096xi32, #tpu.memory_space<hbm>> -> memref<32xi32, #tpu.memory_space<hbm>>
      tpu.enqueue_dma source(%dma_start3A_40 : memref<32xi32, #tpu.memory_space<hbm>>) target(%arg5 : memref<32xi32, #tpu.memory_space<vmem>>) target_semaphore(%run_scoped3A : memref<!tpu.dma_semaphore, #tpu.memory_space<semaphore_mem>>)
      %dma_wait3A_41 = tpu.memref_slice %arg3[%add3A_15] : memref<4096xi32, #tpu.memory_space<hbm>> -> memref<32xi32, #tpu.memory_space<hbm>>
      %dma_wait3A_42 = tpu.memref_slice %arg3[%add3A_15] : memref<4096xi32, #tpu.memory_space<hbm>> -> memref<32xi32, #tpu.memory_space<hbm>>
      tpu.wait_dma2 semaphore(%run_scoped3A : memref<!tpu.dma_semaphore, #tpu.memory_space<semaphore_mem>>) src(%dma_wait3A_42 : memref<32xi32, #tpu.memory_space<hbm>>) dst(%arg5 : memref<32xi32, #tpu.memory_space<vmem>>)
      tpu.yield
    }) : () -> ()
    %dma_start3A_16 = arith.constant 0 : i32
    %dma_start3A_17 = arith.constant 0 : i32
    %dma_start3A_18 = tpu.memref_slice %arg2[%dma_start3A_16, %dma_start3A_17] : memref<5888x1024xf32, #tpu.memory_space<hbm>> -> memref<5888x1024xf32, #tpu.memory_space<hbm>>
    tpu.enqueue_indirect_dma source(%dma_start3A_18 : memref<5888x1024xf32, #tpu.memory_space<hbm>>) target(%arg7 : memref<32x1024xf32, #tpu.memory_space<vmem>>) offsets(%arg5 : memref<32xi32, #tpu.memory_space<vmem>>) semaphore(%arg9 : memref<!tpu.dma_semaphore, #tpu.memory_space<semaphore_mem>>)
    %dma_wait3A_19 = arith.constant 0 : i32
    %dma_wait3A_20 = arith.constant 0 : i32
    %dma_wait3A_21 = tpu.memref_slice %arg2[%dma_wait3A_19, %dma_wait3A_20] : memref<5888x1024xf32, #tpu.memory_space<hbm>> -> memref<5888x1024xf32, #tpu.memory_space<hbm>>
    tpu.wait_indirect_dma semaphore(%arg10 : memref<!tpu.dma_semaphore, #tpu.memory_space<semaphore_mem>>) src(%dma_wait3A_21 : memref<5888x1024xf32, #tpu.memory_space<hbm>>) dst(%arg8 : memref<32x1024xf32, #tpu.memory_space<vmem>>)
    %add3A_22 = arith.constant 32 : i32
    %add3A_23 = arith.addi %mul3A_2, %add3A_22 : i32
    "tpu.region"() ({
      %run_scoped3A = tpu.sem_alloc : memref<!tpu.dma_semaphore, #tpu.memory_space<semaphore_mem>>
      %dma_start3A_39 = arith.constant 0 : i32
      %dma_start3A_40 = tpu.memref_slice %arg4[%add3A_23, %dma_start3A_39] : memref<4096x1024xf32, #tpu.memory_space<hbm>> -> memref<32x1024xf32, #tpu.memory_space<hbm>>
      %dma_start3A_41 = arith.constant 0 : i32
      %dma_start3A_42 = tpu.memref_slice %arg4[%add3A_23, %dma_start3A_41] : memref<4096x1024xf32, #tpu.memory_space<hbm>> -> memref<32x1024xf32, #tpu.memory_space<hbm>>
      tpu.enqueue_dma source(%arg8 : memref<32x1024xf32, #tpu.memory_space<vmem>>) target(%dma_start3A_42 : memref<32x1024xf32, #tpu.memory_space<hbm>>) target_semaphore(%run_scoped3A : memref<!tpu.dma_semaphore, #tpu.memory_space<semaphore_mem>>)
      %dma_wait3A_43 = arith.constant 0 : i32
      %dma_wait3A_44 = tpu.memref_slice %arg4[%add3A_23, %dma_wait3A_43] : memref<4096x1024xf32, #tpu.memory_space<hbm>> -> memref<32x1024xf32, #tpu.memory_space<hbm>>
      %dma_wait3A_45 = arith.constant 0 : i32
      %dma_wait3A_46 = tpu.memref_slice %arg4[%add3A_23, %dma_wait3A_45] : memref<4096x1024xf32, #tpu.memory_space<hbm>> -> memref<32x1024xf32, #tpu.memory_space<hbm>>
      tpu.wait_dma2 semaphore(%run_scoped3A : memref<!tpu.dma_semaphore, #tpu.memory_space<semaphore_mem>>) src(%arg8 : memref<32x1024xf32, #tpu.memory_space<vmem>>) dst(%dma_wait3A_46 : memref<32x1024xf32, #tpu.memory_space<hbm>>)
      tpu.yield
    }) : () -> ()
    %add3A_24 = arith.constant 96 : i32
    %add3A_25 = arith.addi %mul3A_2, %add3A_24 : i32
    "tpu.region"() ({
      %run_scoped3A = tpu.sem_alloc : memref<!tpu.dma_semaphore, #tpu.memory_space<semaphore_mem>>
      %dma_start3A_39 = tpu.memref_slice %arg3[%add3A_25] : memref<4096xi32, #tpu.memory_space<hbm>> -> memref<32xi32, #tpu.memory_space<hbm>>
      %dma_start3A_40 = tpu.memref_slice %arg3[%add3A_25] : memref<4096xi32, #tpu.memory_space<hbm>> -> memref<32xi32, #tpu.memory_space<hbm>>
      tpu.enqueue_dma source(%dma_start3A_40 : memref<32xi32, #tpu.memory_space<hbm>>) target(%arg6 : memref<32xi32, #tpu.memory_space<vmem>>) target_semaphore(%run_scoped3A : memref<!tpu.dma_semaphore, #tpu.memory_space<semaphore_mem>>)
      %dma_wait3A_41 = tpu.memref_slice %arg3[%add3A_25] : memref<4096xi32, #tpu.memory_space<hbm>> -> memref<32xi32, #tpu.memory_space<hbm>>
      %dma_wait3A_42 = tpu.memref_slice %arg3[%add3A_25] : memref<4096xi32, #tpu.memory_space<hbm>> -> memref<32xi32, #tpu.memory_space<hbm>>
      tpu.wait_dma2 semaphore(%run_scoped3A : memref<!tpu.dma_semaphore, #tpu.memory_space<semaphore_mem>>) src(%dma_wait3A_42 : memref<32xi32, #tpu.memory_space<hbm>>) dst(%arg6 : memref<32xi32, #tpu.memory_space<vmem>>)
      tpu.yield
    }) : () -> ()
    %dma_start3A_26 = arith.constant 0 : i32
    %dma_start3A_27 = arith.constant 0 : i32
    %dma_start3A_28 = tpu.memref_slice %arg2[%dma_start3A_26, %dma_start3A_27] : memref<5888x1024xf32, #tpu.memory_space<hbm>> -> memref<5888x1024xf32, #tpu.memory_space<hbm>>
    tpu.enqueue_indirect_dma source(%dma_start3A_28 : memref<5888x1024xf32, #tpu.memory_space<hbm>>) target(%arg8 : memref<32x1024xf32, #tpu.memory_space<vmem>>) offsets(%arg6 : memref<32xi32, #tpu.memory_space<vmem>>) semaphore(%arg10 : memref<!tpu.dma_semaphore, #tpu.memory_space<semaphore_mem>>)
    %dma_wait3A_29 = arith.constant 0 : i32
    %dma_wait3A_30 = arith.constant 0 : i32
    %dma_wait3A_31 = tpu.memref_slice %arg2[%dma_wait3A_29, %dma_wait3A_30] : memref<5888x1024xf32, #tpu.memory_space<hbm>> -> memref<5888x1024xf32, #tpu.memory_space<hbm>>
    tpu.wait_indirect_dma semaphore(%arg9 : memref<!tpu.dma_semaphore, #tpu.memory_space<semaphore_mem>>) src(%dma_wait3A_31 : memref<5888x1024xf32, #tpu.memory_space<hbm>>) dst(%arg7 : memref<32x1024xf32, #tpu.memory_space<vmem>>)
    %add3A_32 = arith.constant 64 : i32
    %add3A_33 = arith.addi %mul3A_2, %add3A_32 : i32
    "tpu.region"() ({
      %run_scoped3A = tpu.sem_alloc : memref<!tpu.dma_semaphore, #tpu.memory_space<semaphore_mem>>
      %dma_start3A_39 = arith.constant 0 : i32
      %dma_start3A_40 = tpu.memref_slice %arg4[%add3A_33, %dma_start3A_39] : memref<4096x1024xf32, #tpu.memory_space<hbm>> -> memref<32x1024xf32, #tpu.memory_space<hbm>>
      %dma_start3A_41 = arith.constant 0 : i32
      %dma_start3A_42 = tpu.memref_slice %arg4[%add3A_33, %dma_start3A_41] : memref<4096x1024xf32, #tpu.memory_space<hbm>> -> memref<32x1024xf32, #tpu.memory_space<hbm>>
      tpu.enqueue_dma source(%arg7 : memref<32x1024xf32, #tpu.memory_space<vmem>>) target(%dma_start3A_42 : memref<32x1024xf32, #tpu.memory_space<hbm>>) target_semaphore(%run_scoped3A : memref<!tpu.dma_semaphore, #tpu.memory_space<semaphore_mem>>)
      %dma_wait3A_43 = arith.constant 0 : i32
      %dma_wait3A_44 = tpu.memref_slice %arg4[%add3A_33, %dma_wait3A_43] : memref<4096x1024xf32, #tpu.memory_space<hbm>> -> memref<32x1024xf32, #tpu.memory_space<hbm>>
      %dma_wait3A_45 = arith.constant 0 : i32
      %dma_wait3A_46 = tpu.memref_slice %arg4[%add3A_33, %dma_wait3A_45] : memref<4096x1024xf32, #tpu.memory_space<hbm>> -> memref<32x1024xf32, #tpu.memory_space<hbm>>
      tpu.wait_dma2 semaphore(%run_scoped3A : memref<!tpu.dma_semaphore, #tpu.memory_space<semaphore_mem>>) src(%arg7 : memref<32x1024xf32, #tpu.memory_space<vmem>>) dst(%dma_wait3A_46 : memref<32x1024xf32, #tpu.memory_space<hbm>>)
      tpu.yield
    }) : () -> ()
    %dma_wait3A_34 = arith.constant 0 : i32
    %dma_wait3A_35 = arith.constant 0 : i32
    %dma_wait3A_36 = tpu.memref_slice %arg2[%dma_wait3A_34, %dma_wait3A_35] : memref<5888x1024xf32, #tpu.memory_space<hbm>> -> memref<5888x1024xf32, #tpu.memory_space<hbm>>
    tpu.wait_indirect_dma semaphore(%arg10 : memref<!tpu.dma_semaphore, #tpu.memory_space<semaphore_mem>>) src(%dma_wait3A_36 : memref<5888x1024xf32, #tpu.memory_space<hbm>>) dst(%arg8 : memref<32x1024xf32, #tpu.memory_space<vmem>>)
    %add3A_37 = arith.constant 96 : i32
    %add3A_38 = arith.addi %mul3A_2, %add3A_37 : i32
    "tpu.region"() ({
      %run_scoped3A = tpu.sem_alloc : memref<!tpu.dma_semaphore, #tpu.memory_space<semaphore_mem>>
      %dma_start3A_39 = arith.constant 0 : i32
      %dma_start3A_40 = tpu.memref_slice %arg4[%add3A_38, %dma_start3A_39] : memref<4096x1024xf32, #tpu.memory_space<hbm>> -> memref<32x1024xf32, #tpu.memory_space<hbm>>
      %dma_start3A_41 = arith.constant 0 : i32
      %dma_start3A_42 = tpu.memref_slice %arg4[%add3A_38, %dma_start3A_41] : memref<4096x1024xf32, #tpu.memory_space<hbm>> -> memref<32x1024xf32, #tpu.memory_space<hbm>>
      tpu.enqueue_dma source(%arg8 : memref<32x1024xf32, #tpu.memory_space<vmem>>) target(%dma_start3A_42 : memref<32x1024xf32, #tpu.memory_space<hbm>>) target_semaphore(%run_scoped3A : memref<!tpu.dma_semaphore, #tpu.memory_space<semaphore_mem>>)
      %dma_wait3A_43 = arith.constant 0 : i32
      %dma_wait3A_44 = tpu.memref_slice %arg4[%add3A_38, %dma_wait3A_43] : memref<4096x1024xf32, #tpu.memory_space<hbm>> -> memref<32x1024xf32, #tpu.memory_space<hbm>>
      %dma_wait3A_45 = arith.constant 0 : i32
      %dma_wait3A_46 = tpu.memref_slice %arg4[%add3A_38, %dma_wait3A_45] : memref<4096x1024xf32, #tpu.memory_space<hbm>> -> memref<32x1024xf32, #tpu.memory_space<hbm>>
      tpu.wait_dma2 semaphore(%run_scoped3A : memref<!tpu.dma_semaphore, #tpu.memory_space<semaphore_mem>>) src(%arg8 : memref<32x1024xf32, #tpu.memory_space<vmem>>) dst(%dma_wait3A_46 : memref<32x1024xf32, #tpu.memory_space<hbm>>)
      tpu.yield
    }) : () -> ()
    return
  }
}

#map = affine_map<(d0, d1) -> (0, 0)>
#map1 = affine_map<(d0, d1) -> (0)>
module attributes {stable_mosaic.version = 14 : i64} {
  func.func @_sc_scatter_body(%arg0: i32, %arg1: i32, %arg2: memref<4096x1024xf32, #tpu.memory_space<hbm>>, %arg3: memref<4096xi32, #tpu.memory_space<hbm>>, %arg4: memref<5888x1024xf32, #tpu.memory_space<hbm>>, %arg5: memref<32xi32, #tpu.memory_space<vmem>>, %arg6: memref<32xi32, #tpu.memory_space<vmem>>, %arg7: memref<32x1024xf32, #tpu.memory_space<vmem>>, %arg8: memref<32x1024xf32, #tpu.memory_space<vmem>>, %arg9: memref<!tpu.dma_semaphore, #tpu.memory_space<semaphore_mem>>, %arg10: memref<!tpu.dma_semaphore, #tpu.memory_space<semaphore_mem>>, %arg11: memref<!tpu.dma_semaphore, #tpu.memory_space<semaphore_mem>>, %arg12: memref<!tpu.dma_semaphore, #tpu.memory_space<semaphore_mem>>) attributes {dimension_semantics = [#tpu.dimension_semantics<core_parallel>, #tpu.dimension_semantics<subcore_parallel>], iteration_bounds = array<i64: 2, 16>, scalar_prefetch = 0 : i64, scratch_operands = 8 : i64, tpu.core_type = #tpu.core_type<sc_vector_subcore>, window_params = [{transform_indices = #map}, {transform_indices = #map1}, {transform_indices = #map}]} {
    %mul3A = arith.constant 2 : i32
    %mul3A_0 = arith.muli %arg1, %mul3A : i32
    %add3A = arith.addi %mul3A_0, %arg0 : i32
    %mul3A_1 = arith.constant 128 : i32
    %mul3A_2 = arith.muli %add3A, %mul3A_1 : i32
    "tpu.region"() ({
      %run_scoped3A = tpu.sem_alloc : memref<!tpu.dma_semaphore, #tpu.memory_space<semaphore_mem>>
      %dma_start3A_63 = tpu.memref_slice %arg3[%mul3A_2] : memref<4096xi32, #tpu.memory_space<hbm>> -> memref<32xi32, #tpu.memory_space<hbm>>
      %dma_start3A_64 = tpu.memref_slice %arg3[%mul3A_2] : memref<4096xi32, #tpu.memory_space<hbm>> -> memref<32xi32, #tpu.memory_space<hbm>>
      tpu.enqueue_dma source(%dma_start3A_64 : memref<32xi32, #tpu.memory_space<hbm>>) target(%arg5 : memref<32xi32, #tpu.memory_space<vmem>>) target_semaphore(%run_scoped3A : memref<!tpu.dma_semaphore, #tpu.memory_space<semaphore_mem>>)
      %dma_wait3A_65 = tpu.memref_slice %arg3[%mul3A_2] : memref<4096xi32, #tpu.memory_space<hbm>> -> memref<32xi32, #tpu.memory_space<hbm>>
      %dma_wait3A_66 = tpu.memref_slice %arg3[%mul3A_2] : memref<4096xi32, #tpu.memory_space<hbm>> -> memref<32xi32, #tpu.memory_space<hbm>>
      tpu.wait_dma2 semaphore(%run_scoped3A : memref<!tpu.dma_semaphore, #tpu.memory_space<semaphore_mem>>) src(%dma_wait3A_66 : memref<32xi32, #tpu.memory_space<hbm>>) dst(%arg5 : memref<32xi32, #tpu.memory_space<vmem>>)
      tpu.yield
    }) : () -> ()
    %dma_start3A = arith.constant 0 : i32
    %dma_start3A_3 = tpu.memref_slice %arg2[%mul3A_2, %dma_start3A] : memref<4096x1024xf32, #tpu.memory_space<hbm>> -> memref<32x1024xf32, #tpu.memory_space<hbm>>
    %dma_start3A_4 = arith.constant 0 : i32
    %dma_start3A_5 = tpu.memref_slice %arg2[%mul3A_2, %dma_start3A_4] : memref<4096x1024xf32, #tpu.memory_space<hbm>> -> memref<32x1024xf32, #tpu.memory_space<hbm>>
    tpu.enqueue_dma source(%dma_start3A_5 : memref<32x1024xf32, #tpu.memory_space<hbm>>) target(%arg7 : memref<32x1024xf32, #tpu.memory_space<vmem>>) target_semaphore(%arg9 : memref<!tpu.dma_semaphore, #tpu.memory_space<semaphore_mem>>)
    %dma_wait3A = arith.constant 0 : i32
    %dma_wait3A_6 = tpu.memref_slice %arg2[%mul3A_2, %dma_wait3A] : memref<4096x1024xf32, #tpu.memory_space<hbm>> -> memref<32x1024xf32, #tpu.memory_space<hbm>>
    %dma_wait3A_7 = arith.constant 0 : i32
    %dma_wait3A_8 = tpu.memref_slice %arg2[%mul3A_2, %dma_wait3A_7] : memref<4096x1024xf32, #tpu.memory_space<hbm>> -> memref<32x1024xf32, #tpu.memory_space<hbm>>
    tpu.wait_dma2 semaphore(%arg9 : memref<!tpu.dma_semaphore, #tpu.memory_space<semaphore_mem>>) src(%dma_wait3A_8 : memref<32x1024xf32, #tpu.memory_space<hbm>>) dst(%arg7 : memref<32x1024xf32, #tpu.memory_space<vmem>>)
    %add3A_9 = arith.constant 32 : i32
    %add3A_10 = arith.addi %mul3A_2, %add3A_9 : i32
    "tpu.region"() ({
      %run_scoped3A = tpu.sem_alloc : memref<!tpu.dma_semaphore, #tpu.memory_space<semaphore_mem>>
      %dma_start3A_63 = tpu.memref_slice %arg3[%add3A_10] : memref<4096xi32, #tpu.memory_space<hbm>> -> memref<32xi32, #tpu.memory_space<hbm>>
      %dma_start3A_64 = tpu.memref_slice %arg3[%add3A_10] : memref<4096xi32, #tpu.memory_space<hbm>> -> memref<32xi32, #tpu.memory_space<hbm>>
      tpu.enqueue_dma source(%dma_start3A_64 : memref<32xi32, #tpu.memory_space<hbm>>) target(%arg6 : memref<32xi32, #tpu.memory_space<vmem>>) target_semaphore(%run_scoped3A : memref<!tpu.dma_semaphore, #tpu.memory_space<semaphore_mem>>)
      %dma_wait3A_65 = tpu.memref_slice %arg3[%add3A_10] : memref<4096xi32, #tpu.memory_space<hbm>> -> memref<32xi32, #tpu.memory_space<hbm>>
      %dma_wait3A_66 = tpu.memref_slice %arg3[%add3A_10] : memref<4096xi32, #tpu.memory_space<hbm>> -> memref<32xi32, #tpu.memory_space<hbm>>
      tpu.wait_dma2 semaphore(%run_scoped3A : memref<!tpu.dma_semaphore, #tpu.memory_space<semaphore_mem>>) src(%dma_wait3A_66 : memref<32xi32, #tpu.memory_space<hbm>>) dst(%arg6 : memref<32xi32, #tpu.memory_space<vmem>>)
      tpu.yield
    }) : () -> ()
    %dma_start3A_11 = arith.constant 0 : i32
    %dma_start3A_12 = tpu.memref_slice %arg2[%add3A_10, %dma_start3A_11] : memref<4096x1024xf32, #tpu.memory_space<hbm>> -> memref<32x1024xf32, #tpu.memory_space<hbm>>
    %dma_start3A_13 = arith.constant 0 : i32
    %dma_start3A_14 = tpu.memref_slice %arg2[%add3A_10, %dma_start3A_13] : memref<4096x1024xf32, #tpu.memory_space<hbm>> -> memref<32x1024xf32, #tpu.memory_space<hbm>>
    tpu.enqueue_dma source(%dma_start3A_14 : memref<32x1024xf32, #tpu.memory_space<hbm>>) target(%arg8 : memref<32x1024xf32, #tpu.memory_space<vmem>>) target_semaphore(%arg10 : memref<!tpu.dma_semaphore, #tpu.memory_space<semaphore_mem>>)
    %dma_start3A_15 = arith.constant 0 : i32
    %dma_start3A_16 = arith.constant 0 : i32
    %dma_start3A_17 = tpu.memref_slice %arg4[%dma_start3A_15, %dma_start3A_16] : memref<5888x1024xf32, #tpu.memory_space<hbm>> -> memref<5888x1024xf32, #tpu.memory_space<hbm>>
    tpu.enqueue_indirect_dma source(%arg7 : memref<32x1024xf32, #tpu.memory_space<vmem>>) target(%dma_start3A_17 : memref<5888x1024xf32, #tpu.memory_space<hbm>>) offsets(%arg5 : memref<32xi32, #tpu.memory_space<vmem>>) semaphore(%arg11 : memref<!tpu.dma_semaphore, #tpu.memory_space<semaphore_mem>>)
    %dma_wait3A_18 = arith.constant 0 : i32
    %dma_wait3A_19 = tpu.memref_slice %arg2[%add3A_10, %dma_wait3A_18] : memref<4096x1024xf32, #tpu.memory_space<hbm>> -> memref<32x1024xf32, #tpu.memory_space<hbm>>
    %dma_wait3A_20 = arith.constant 0 : i32
    %dma_wait3A_21 = tpu.memref_slice %arg2[%add3A_10, %dma_wait3A_20] : memref<4096x1024xf32, #tpu.memory_space<hbm>> -> memref<32x1024xf32, #tpu.memory_space<hbm>>
    tpu.wait_dma2 semaphore(%arg10 : memref<!tpu.dma_semaphore, #tpu.memory_space<semaphore_mem>>) src(%dma_wait3A_21 : memref<32x1024xf32, #tpu.memory_space<hbm>>) dst(%arg8 : memref<32x1024xf32, #tpu.memory_space<vmem>>)
    %dma_wait3A_22 = arith.constant 0 : i32
    %dma_wait3A_23 = arith.constant 0 : i32
    %dma_wait3A_24 = tpu.memref_slice %arg4[%dma_wait3A_22, %dma_wait3A_23] : memref<5888x1024xf32, #tpu.memory_space<hbm>> -> memref<5888x1024xf32, #tpu.memory_space<hbm>>
    tpu.wait_indirect_dma semaphore(%arg11 : memref<!tpu.dma_semaphore, #tpu.memory_space<semaphore_mem>>) src(%arg7 : memref<32x1024xf32, #tpu.memory_space<vmem>>) dst(%dma_wait3A_24 : memref<5888x1024xf32, #tpu.memory_space<hbm>>)
    %add3A_25 = arith.constant 64 : i32
    %add3A_26 = arith.addi %mul3A_2, %add3A_25 : i32
    "tpu.region"() ({
      %run_scoped3A = tpu.sem_alloc : memref<!tpu.dma_semaphore, #tpu.memory_space<semaphore_mem>>
      %dma_start3A_63 = tpu.memref_slice %arg3[%add3A_26] : memref<4096xi32, #tpu.memory_space<hbm>> -> memref<32xi32, #tpu.memory_space<hbm>>
      %dma_start3A_64 = tpu.memref_slice %arg3[%add3A_26] : memref<4096xi32, #tpu.memory_space<hbm>> -> memref<32xi32, #tpu.memory_space<hbm>>
      tpu.enqueue_dma source(%dma_start3A_64 : memref<32xi32, #tpu.memory_space<hbm>>) target(%arg5 : memref<32xi32, #tpu.memory_space<vmem>>) target_semaphore(%run_scoped3A : memref<!tpu.dma_semaphore, #tpu.memory_space<semaphore_mem>>)
      %dma_wait3A_65 = tpu.memref_slice %arg3[%add3A_26] : memref<4096xi32, #tpu.memory_space<hbm>> -> memref<32xi32, #tpu.memory_space<hbm>>
      %dma_wait3A_66 = tpu.memref_slice %arg3[%add3A_26] : memref<4096xi32, #tpu.memory_space<hbm>> -> memref<32xi32, #tpu.memory_space<hbm>>
      tpu.wait_dma2 semaphore(%run_scoped3A : memref<!tpu.dma_semaphore, #tpu.memory_space<semaphore_mem>>) src(%dma_wait3A_66 : memref<32xi32, #tpu.memory_space<hbm>>) dst(%arg5 : memref<32xi32, #tpu.memory_space<vmem>>)
      tpu.yield
    }) : () -> ()
    %dma_start3A_27 = arith.constant 0 : i32
    %dma_start3A_28 = tpu.memref_slice %arg2[%add3A_26, %dma_start3A_27] : memref<4096x1024xf32, #tpu.memory_space<hbm>> -> memref<32x1024xf32, #tpu.memory_space<hbm>>
    %dma_start3A_29 = arith.constant 0 : i32
    %dma_start3A_30 = tpu.memref_slice %arg2[%add3A_26, %dma_start3A_29] : memref<4096x1024xf32, #tpu.memory_space<hbm>> -> memref<32x1024xf32, #tpu.memory_space<hbm>>
    tpu.enqueue_dma source(%dma_start3A_30 : memref<32x1024xf32, #tpu.memory_space<hbm>>) target(%arg7 : memref<32x1024xf32, #tpu.memory_space<vmem>>) target_semaphore(%arg9 : memref<!tpu.dma_semaphore, #tpu.memory_space<semaphore_mem>>)
    %dma_start3A_31 = arith.constant 0 : i32
    %dma_start3A_32 = arith.constant 0 : i32
    %dma_start3A_33 = tpu.memref_slice %arg4[%dma_start3A_31, %dma_start3A_32] : memref<5888x1024xf32, #tpu.memory_space<hbm>> -> memref<5888x1024xf32, #tpu.memory_space<hbm>>
    tpu.enqueue_indirect_dma source(%arg8 : memref<32x1024xf32, #tpu.memory_space<vmem>>) target(%dma_start3A_33 : memref<5888x1024xf32, #tpu.memory_space<hbm>>) offsets(%arg6 : memref<32xi32, #tpu.memory_space<vmem>>) semaphore(%arg12 : memref<!tpu.dma_semaphore, #tpu.memory_space<semaphore_mem>>)
    %dma_wait3A_34 = arith.constant 0 : i32
    %dma_wait3A_35 = tpu.memref_slice %arg2[%add3A_26, %dma_wait3A_34] : memref<4096x1024xf32, #tpu.memory_space<hbm>> -> memref<32x1024xf32, #tpu.memory_space<hbm>>
    %dma_wait3A_36 = arith.constant 0 : i32
    %dma_wait3A_37 = tpu.memref_slice %arg2[%add3A_26, %dma_wait3A_36] : memref<4096x1024xf32, #tpu.memory_space<hbm>> -> memref<32x1024xf32, #tpu.memory_space<hbm>>
    tpu.wait_dma2 semaphore(%arg9 : memref<!tpu.dma_semaphore, #tpu.memory_space<semaphore_mem>>) src(%dma_wait3A_37 : memref<32x1024xf32, #tpu.memory_space<hbm>>) dst(%arg7 : memref<32x1024xf32, #tpu.memory_space<vmem>>)
    %dma_wait3A_38 = arith.constant 0 : i32
    %dma_wait3A_39 = arith.constant 0 : i32
    %dma_wait3A_40 = tpu.memref_slice %arg4[%dma_wait3A_38, %dma_wait3A_39] : memref<5888x1024xf32, #tpu.memory_space<hbm>> -> memref<5888x1024xf32, #tpu.memory_space<hbm>>
    tpu.wait_indirect_dma semaphore(%arg12 : memref<!tpu.dma_semaphore, #tpu.memory_space<semaphore_mem>>) src(%arg8 : memref<32x1024xf32, #tpu.memory_space<vmem>>) dst(%dma_wait3A_40 : memref<5888x1024xf32, #tpu.memory_space<hbm>>)
    %add3A_41 = arith.constant 96 : i32
    %add3A_42 = arith.addi %mul3A_2, %add3A_41 : i32
    "tpu.region"() ({
      %run_scoped3A = tpu.sem_alloc : memref<!tpu.dma_semaphore, #tpu.memory_space<semaphore_mem>>
      %dma_start3A_63 = tpu.memref_slice %arg3[%add3A_42] : memref<4096xi32, #tpu.memory_space<hbm>> -> memref<32xi32, #tpu.memory_space<hbm>>
      %dma_start3A_64 = tpu.memref_slice %arg3[%add3A_42] : memref<4096xi32, #tpu.memory_space<hbm>> -> memref<32xi32, #tpu.memory_space<hbm>>
      tpu.enqueue_dma source(%dma_start3A_64 : memref<32xi32, #tpu.memory_space<hbm>>) target(%arg6 : memref<32xi32, #tpu.memory_space<vmem>>) target_semaphore(%run_scoped3A : memref<!tpu.dma_semaphore, #tpu.memory_space<semaphore_mem>>)
      %dma_wait3A_65 = tpu.memref_slice %arg3[%add3A_42] : memref<4096xi32, #tpu.memory_space<hbm>> -> memref<32xi32, #tpu.memory_space<hbm>>
      %dma_wait3A_66 = tpu.memref_slice %arg3[%add3A_42] : memref<4096xi32, #tpu.memory_space<hbm>> -> memref<32xi32, #tpu.memory_space<hbm>>
      tpu.wait_dma2 semaphore(%run_scoped3A : memref<!tpu.dma_semaphore, #tpu.memory_space<semaphore_mem>>) src(%dma_wait3A_66 : memref<32xi32, #tpu.memory_space<hbm>>) dst(%arg6 : memref<32xi32, #tpu.memory_space<vmem>>)
      tpu.yield
    }) : () -> ()
    %dma_start3A_43 = arith.constant 0 : i32
    %dma_start3A_44 = tpu.memref_slice %arg2[%add3A_42, %dma_start3A_43] : memref<4096x1024xf32, #tpu.memory_space<hbm>> -> memref<32x1024xf32, #tpu.memory_space<hbm>>
    %dma_start3A_45 = arith.constant 0 : i32
    %dma_start3A_46 = tpu.memref_slice %arg2[%add3A_42, %dma_start3A_45] : memref<4096x1024xf32, #tpu.memory_space<hbm>> -> memref<32x1024xf32, #tpu.memory_space<hbm>>
    tpu.enqueue_dma source(%dma_start3A_46 : memref<32x1024xf32, #tpu.memory_space<hbm>>) target(%arg8 : memref<32x1024xf32, #tpu.memory_space<vmem>>) target_semaphore(%arg10 : memref<!tpu.dma_semaphore, #tpu.memory_space<semaphore_mem>>)
    %dma_start3A_47 = arith.constant 0 : i32
    %dma_start3A_48 = arith.constant 0 : i32
    %dma_start3A_49 = tpu.memref_slice %arg4[%dma_start3A_47, %dma_start3A_48] : memref<5888x1024xf32, #tpu.memory_space<hbm>> -> memref<5888x1024xf32, #tpu.memory_space<hbm>>
    tpu.enqueue_indirect_dma source(%arg7 : memref<32x1024xf32, #tpu.memory_space<vmem>>) target(%dma_start3A_49 : memref<5888x1024xf32, #tpu.memory_space<hbm>>) offsets(%arg5 : memref<32xi32, #tpu.memory_space<vmem>>) semaphore(%arg11 : memref<!tpu.dma_semaphore, #tpu.memory_space<semaphore_mem>>)
    %dma_wait3A_50 = arith.constant 0 : i32
    %dma_wait3A_51 = tpu.memref_slice %arg2[%add3A_42, %dma_wait3A_50] : memref<4096x1024xf32, #tpu.memory_space<hbm>> -> memref<32x1024xf32, #tpu.memory_space<hbm>>
    %dma_wait3A_52 = arith.constant 0 : i32
    %dma_wait3A_53 = tpu.memref_slice %arg2[%add3A_42, %dma_wait3A_52] : memref<4096x1024xf32, #tpu.memory_space<hbm>> -> memref<32x1024xf32, #tpu.memory_space<hbm>>
    tpu.wait_dma2 semaphore(%arg10 : memref<!tpu.dma_semaphore, #tpu.memory_space<semaphore_mem>>) src(%dma_wait3A_53 : memref<32x1024xf32, #tpu.memory_space<hbm>>) dst(%arg8 : memref<32x1024xf32, #tpu.memory_space<vmem>>)
    %dma_start3A_54 = arith.constant 0 : i32
    %dma_start3A_55 = arith.constant 0 : i32
    %dma_start3A_56 = tpu.memref_slice %arg4[%dma_start3A_54, %dma_start3A_55] : memref<5888x1024xf32, #tpu.memory_space<hbm>> -> memref<5888x1024xf32, #tpu.memory_space<hbm>>
    tpu.enqueue_indirect_dma source(%arg8 : memref<32x1024xf32, #tpu.memory_space<vmem>>) target(%dma_start3A_56 : memref<5888x1024xf32, #tpu.memory_space<hbm>>) offsets(%arg6 : memref<32xi32, #tpu.memory_space<vmem>>) semaphore(%arg12 : memref<!tpu.dma_semaphore, #tpu.memory_space<semaphore_mem>>)
    %dma_wait3A_57 = arith.constant 0 : i32
    %dma_wait3A_58 = arith.constant 0 : i32
    %dma_wait3A_59 = tpu.memref_slice %arg4[%dma_wait3A_57, %dma_wait3A_58] : memref<5888x1024xf32, #tpu.memory_space<hbm>> -> memref<5888x1024xf32, #tpu.memory_space<hbm>>
    tpu.wait_indirect_dma semaphore(%arg12 : memref<!tpu.dma_semaphore, #tpu.memory_space<semaphore_mem>>) src(%arg8 : memref<32x1024xf32, #tpu.memory_space<vmem>>) dst(%dma_wait3A_59 : memref<5888x1024xf32, #tpu.memory_space<hbm>>)
    %dma_wait3A_60 = arith.constant 0 : i32
    %dma_wait3A_61 = arith.constant 0 : i32
    %dma_wait3A_62 = tpu.memref_slice %arg4[%dma_wait3A_60, %dma_wait3A_61] : memref<5888x1024xf32, #tpu.memory_space<hbm>> -> memref<5888x1024xf32, #tpu.memory_space<hbm>>
    tpu.wait_indirect_dma semaphore(%arg11 : memref<!tpu.dma_semaphore, #tpu.memory_space<semaphore_mem>>) src(%arg7 : memref<32x1024xf32, #tpu.memory_space<vmem>>) dst(%dma_wait3A_62 : memref<5888x1024xf32, #tpu.memory_space<hbm>>)
    return
  }
}

module attributes {stable_mosaic.version = 14 : i64} {
  func.func @_mm_body(%arg0: i32, %arg1: memref<3x23xi32, #tpu.memory_space<smem>>, %arg2: memref<256x1024xf32, #tpu.memory_space<vmem>>, %arg3: memref<1x1024x1024xf32, #tpu.memory_space<vmem>>, %arg4: memref<1x1x1024xf32, #tpu.memory_space<vmem>>, %arg5: memref<256x1024xf32, #tpu.memory_space<vmem>>) attributes {dimension_semantics = [#tpu.dimension_semantics<arbitrary>], iteration_bounds = array<i64: 23>, scalar_prefetch = 1 : i64, scratch_operands = 0 : i64, tpu.core_type = #tpu.core_type<tc>, window_params = [{transform_indices = @transform_0, window_bounds = array<i64: 256, 1024>}, {transform_indices = @transform_1, window_bounds = array<i64: 1, 1024, 1024>}, {transform_indices = @transform_2, window_bounds = array<i64: 1, 1, 1024>}, {transform_indices = @transform_3, window_bounds = array<i64: 256, 1024>}]} {
    %get3A = arith.constant 2 : index
    %get3A_0 = arith.constant 0 : index
    %get3A_1 = memref.load %arg1[%get3A, %get3A_0] : memref<3x23xi32, #tpu.memory_space<smem>>
    %lt3A = arith.cmpi slt, %arg0, %get3A_1 : i32
    %convert_element_type3A = arith.extui %lt3A : i1 to i32
    %cond3A = arith.constant 0 : i32
    %cond3A_2 = arith.cmpi ne, %convert_element_type3A, %cond3A : i32
    scf.if %cond3A_2 {
      %get3A_3 = arith.constant 0 : index
      %get3A_4 = arith.constant 0 : index
      %get3A_5 = vector.load %arg2[%get3A_3, %get3A_4] : memref<256x1024xf32, #tpu.memory_space<vmem>>, vector<256x1024xf32>
      %convert_element_type3A_6 = arith.truncf %get3A_5 : vector<256x1024xf32> to vector<256x1024xbf16>
      %get3A_7 = arith.constant 0 : index
      %get3A_8 = arith.constant 0 : index
      %get3A_9 = arith.constant 0 : index
      %get3A_10 = vector.load %arg3[%get3A_7, %get3A_8, %get3A_9] : memref<1x1024x1024xf32, #tpu.memory_space<vmem>>, vector<1x1024x1024xf32>
      %get3A_11 = vector.shape_cast %get3A_10 : vector<1x1024x1024xf32> to vector<1024x1024xf32>
      %convert_element_type3A_12 = arith.truncf %get3A_11 : vector<1024x1024xf32> to vector<1024x1024xbf16>
      %dot_general3A = arith.constant dense<0.000000e+00> : vector<256x1024xf32>
      %dot_general3A_13 = tpu.matmul %convert_element_type3A_6, %convert_element_type3A_12, %dot_general3A {dimension_numbers = #tpu.dot_dimension_numbers<[1], [1], [0], [0], [0, 0, 1, 0], [], []>, transpose_lhs_hint = false} : vector<256x1024xbf16>, vector<1024x1024xbf16>, vector<256x1024xf32> -> vector<256x1024xf32>
      %get3A_14 = arith.constant 0 : index
      %get3A_15 = arith.constant 0 : index
      %get3A_16 = arith.constant 0 : index
      %get3A_17 = vector.load %arg4[%get3A_14, %get3A_15, %get3A_16] : memref<1x1x1024xf32, #tpu.memory_space<vmem>>, vector<1x1x1024xf32>
      %get3A_18 = vector.shape_cast %get3A_17 : vector<1x1x1024xf32> to vector<1024xf32>
      %broadcast_in_dim3A = vector.shape_cast %get3A_18 : vector<1024xf32> to vector<1x1024xf32>
      %add3A = vector.broadcast %broadcast_in_dim3A : vector<1x1024xf32> to vector<256x1024xf32>
      %add3A_19 = arith.addf %dot_general3A_13, %add3A : vector<256x1024xf32>
      %swap3A = arith.constant 0 : index
      %swap3A_20 = arith.constant 0 : index
      %swap3A_21 = vector.load %arg5[%swap3A, %swap3A_20] : memref<256x1024xf32, #tpu.memory_space<vmem>>, vector<256x1024xf32>
      tpu.vector_store %arg5[%swap3A, %swap3A_20], %add3A_19 {strides = array<i32>} : memref<256x1024xf32, #tpu.memory_space<vmem>>, vector<256x1024xf32>,
    } else {
    }
    return
  }
  func.func @transform_0(%arg0: i32, %arg1: memref<3x23xi32, #tpu.memory_space<smem>>) -> (i32, i32) {
    %get3A = arith.constant 0 : index
    %get3A_0 = arith.index_cast %arg0 : i32 to index
    %get3A_1 = memref.load %arg1[%get3A, %get3A_0] : memref<3x23xi32, #tpu.memory_space<smem>>
    %c0_i32 = arith.constant 0 : i32
    %c0_i32_2 = arith.constant 0 : i32
    return %get3A_1, %c0_i32 : i32, i32
  }
  func.func @transform_1(%arg0: i32, %arg1: memref<3x23xi32, #tpu.memory_space<smem>>) -> (i32, i32, i32) {
    %get3A = arith.constant 1 : index
    %get3A_0 = arith.index_cast %arg0 : i32 to index
    %get3A_1 = memref.load %arg1[%get3A, %get3A_0] : memref<3x23xi32, #tpu.memory_space<smem>>
    %c0_i32 = arith.constant 0 : i32
    %c0_i32_2 = arith.constant 0 : i32
    %c0_i32_3 = arith.constant 0 : i32
    return %get3A_1, %c0_i32, %c0_i32_2 : i32, i32, i32
  }
  func.func @transform_2(%arg0: i32, %arg1: memref<3x23xi32, #tpu.memory_space<smem>>) -> (i32, i32, i32) {
    %get3A = arith.constant 1 : index
    %get3A_0 = arith.index_cast %arg0 : i32 to index
    %get3A_1 = memref.load %arg1[%get3A, %get3A_0] : memref<3x23xi32, #tpu.memory_space<smem>>
    %c0_i32 = arith.constant 0 : i32
    %c0_i32_2 = arith.constant 0 : i32
    %c0_i32_3 = arith.constant 0 : i32
    return %get3A_1, %c0_i32, %c0_i32_2 : i32, i32, i32
  }
  func.func @transform_3(%arg0: i32, %arg1: memref<3x23xi32, #tpu.memory_space<smem>>) -> (i32, i32) {
    %get3A = arith.constant 0 : index
    %get3A_0 = arith.index_cast %arg0 : i32 to index
    %get3A_1 = memref.load %arg1[%get3A, %get3A_0] : memref<3x23xi32, #tpu.memory_space<smem>>
    %c0_i32 = arith.constant 0 : i32
    %c0_i32_2 = arith.constant 0 : i32
    return %get3A_1, %c0_i32 : i32, i32
  }
}

</mosaic_0001>

<sc_bundles>
// kernel: kernel.5.cloned.1.call-start
scs
__scs_entry_jumppad:
0x0: {  	(pc) =	sbr.rel $0x88, $3  }
0x1: {  	(tag) =	ssettag $0x0;
	lr =	simm.s32 $0x1  }
0x2: {  	[smem:$0x3F9D] =	sst lr;
	_ =	strace $0xD0000000  }
0x3: {  	_ = 	snop  }
0x4: {  	_ = 	snop  }
0x5: {  	_ = 	snop  }
0x6: {  	_ = 	snop  }
0x7: {  	_ = 	snop  }
__scs_overlays_trampoline_lowered:
0x8: {  	[smem:$0x3FAC] =	sst s0  }
0x9: {  	[smem:$0x3FAD] =	sst s1  }
0xa: {  	[smem:$0x3FAE] =	sst s2  }
0xb: {  	[smem:$0x3FAF] =	sst s3  }
0xc: {  	[smem:$0x3FB0] =	sst s4  }
0xd: {  	[smem:$0x3FB1] =	sst s5  }
0xe: {  	[smem:$0x3FB2] =	sst s6  }
0xf: {  	[smem:$0x3FB3] =	sst s7  }
0x10: {  	[smem:$0x3FB4] =	sst s8  }
0x11: {  	[smem:$0x3FB5] =	sst s9;
	s0 =	simm.s32 @!p0 $0x0  }
0x12: {  	s1 =	sld [smem:$0x3F9B];
	s0 =	simm.s32 @p0 $0x1  }
0x13: {  	[smem:$0x3FB6] =	sst s0;
	s0 =	simm.s32 @!p1 $0x0  }
0x14: {  	s2 =	sld [smem:$0x3F9A];
	s0 =	simm.s32 @p1 $0x1  }
0x15: {  	[smem:$0x3FB7] =	sst s0;
	s0 =	simm.s32 @!p2 $0x0  }
0x16: {  	s3 =	sld [smem:$0x3FDB];
	s0 =	simm.s32 @p2 $0x1  }
0x17: {  	s4 =	simm.s32 $0x1BF5;
	[smem:$0x3FB9] =	sst s0  }
0x18: {  	s0 =	sld [smem:$0x3F9C];
	_ =	swait.ge [sflag:s4], $0x0  }
0x19: {  	s7 =	sld [smem:$0x3F9D]  }
0x1a: {  	s8 =	sadd.s32 $0xFFFFE003, lr  }
0x1b: {  	s9 =	sadd.s32 $0xFFFFFEF7, lr;
	s5 =	simm.s32 $0xFFFFFFFF;
	p2 =	slt.u32 s8, $0xFFFFF086  }
0x1c: {  	p1 =	slt.u32 s9, $0xF7A;
	s5 =	simm.s32 @!p2 $0x0  }
0x1d: {  	s5 =	simm.s32 @p1 $0x1;
	p0 =	seq.s32 s7, s2  }
0x1e: {  	s7 =	smul.u32 @!p0 $0xF7A, s2;
	p2 =	seq.s32 @!p0 s5, $0x0  }
0x1f: {  	s9 =	smul.u32 $0xF7A, s1;
	s8 =	simm.s32 @!p0 $0x1BF5;
	p2 =	por !p2, p0  }
0x20: {  	[sflag:s8] =	ssyncset.s32 @!p0 $0xFFFFF086;
	s6 =	sadd.s32 @!p0 s3, s7;
	s7 =	simm.s32 @!p0 $0x108  }
0x21: {  	s3 =	sadd.s32 s3, s9;
	s6 =	sadd.s32 @!p0 $0x88, s6;
	s7 =	simm.s32 @p2 $0x1082  }
0x22: {  	[simem:s7], [sflag:s8] =	dma.local @!p0 [hbm:s6], $0xF7A  }
0x23: {  	s9 =	sor.u32 $0xD0000000, s2;
	s6 =	simm.s32 $0x108;
	_ =	swait.ge @!p0 [sflag:s8], $0x0  }
0x24: {  	s3 =	sadd.s32 $0x88, s3;
	s6 =	simm.s32 @!p1 $0x1082;
	[sflag:s4] =	ssyncset.s32 $0xFFFFF086  }
0x25: {  	[simem:s6], [sflag:s4] =	dma.local [hbm:s3], $0xF7A  }
0x26: {  	[smem:$0x3F9D] =	sst s1;
	(tag) =	ssettag s2;
	_ =	strace s9  }
0x27: {  	s1 =	sld [smem:$0x3FAD]  }
0x28: {  	s2 =	sld [smem:$0x3FAE]  }
0x29: {  	s4 =	sld [smem:$0x3FB0]  }
0x2a: {  	p0 =	seq.s32 s5, $0x0;
	s5 =	sld [smem:$0x3FB1]  }
0x2b: {  	s6 =	sld [smem:$0x3FB2]  }
0x2c: {  	s7 =	sld [smem:$0x3FB3]  }
0x2d: {  	s3 =	simm.s32 $0x108;
	s8 =	sld [smem:$0x3FB4]  }
0x2e: {  	s3 =	simm.s32 @!p0 $0x1082;
	s9 =	sld [smem:$0x3FB5]  }
0x2f: {  	lr =	sadd.s32 s0, s3;
	s0 =	sld [smem:$0x3FAC]  }
0x30: {  	s3 =	sld [smem:$0x3FAF]  }
0x31: {  	[smem:$0x3FB8] =	sst s10  }
0x32: {  	s10 =	sld [smem:$0x3FB6];
	_ =	sdelay $0x3  }
0x33: {  	p0 =	seq.s32 s10, $0x1;
	s10 =	sld [smem:$0x3FB8];
	_ =	sdelay $0x3  }
0x34: {  	[smem:$0x3FB8] =	sst s10  }
0x35: {  	s10 =	sld [smem:$0x3FB7];
	_ =	sdelay $0x3  }
0x36: {  	p1 =	seq.s32 s10, $0x1;
	s10 =	sld [smem:$0x3FB8];
	_ =	sdelay $0x3  }
0x37: {  	[smem:$0x3FB8] =	sst s10  }
0x38: {  	s10 =	sld [smem:$0x3FB9]  }
0x39: {  	_ = 	snop;
	(pc) =	sbr.ind lr, $3  }
0x3a: {  	_ = 	snop  }
0x3b: {  	_ = 	snop  }
0x3c: {  	p2 =	seq.s32 s10, $0x1;
	s10 =	sld [smem:$0x3FB8]  }
0x3d: {  	_ =	shalt  }
0x3e: {  	_ =	shalt  }
0x3f: {  	_ =	shalt  }
0x40: {  	_ =	shalt  }
0x41: {  	_ =	shalt  }
0x42: {  	_ =	shalt  }
0x43: {  	_ =	shalt  }
0x44: {  	_ =	shalt  }
0x45: {  	_ =	shalt  }
0x46: {  	_ =	shalt  }
0x47: {  	_ =	shalt  }
0x48: {  	_ =	shalt  }
0x49: {  	_ =	shalt  }
0x4a: {  	_ =	shalt  }
0x4b: {  	_ =	shalt  }
0x4c: {  	_ =	shalt  }
0x4d: {  	_ =	shalt  }
0x4e: {  	_ =	shalt  }
0x4f: {  	_ =	shalt  }
0x50: {  	_ =	shalt  }
0x51: {  	_ =	shalt  }
0x52: {  	_ =	shalt  }
0x53: {  	_ =	shalt  }
0x54: {  	_ =	shalt  }
0x55: {  	_ =	shalt  }
0x56: {  	_ =	shalt  }
0x57: {  	_ =	shalt  }
0x58: {  	_ =	shalt  }
0x59: {  	_ =	shalt  }
0x5a: {  	_ =	shalt  }
0x5b: {  	_ =	shalt  }
0x5c: {  	_ =	shalt  }
0x5d: {  	_ =	shalt  }
0x5e: {  	_ =	shalt  }
0x5f: {  	_ =	shalt  }
0x60: {  	_ =	shalt  }
0x61: {  	_ =	shalt  }
0x62: {  	_ =	shalt  }
0x63: {  	_ =	shalt  }
0x64: {  	_ =	shalt  }
0x65: {  	_ =	shalt  }
0x66: {  	_ =	shalt  }
0x67: {  	_ =	shalt  }
0x68: {  	_ =	shalt  }
0x69: {  	_ =	shalt  }
0x6a: {  	_ =	shalt  }
0x6b: {  	_ =	shalt  }
0x6c: {  	_ =	shalt  }
0x6d: {  	_ =	shalt  }
0x6e: {  	_ =	shalt  }
0x6f: {  	_ =	shalt  }
0x70: {  	_ =	shalt  }
0x71: {  	_ =	shalt  }
0x72: {  	_ =	shalt  }
0x73: {  	_ =	shalt  }
0x74: {  	_ =	shalt  }
0x75: {  	_ =	shalt  }
0x76: {  	_ =	shalt  }
0x77: {  	_ =	shalt  }
0x78: {  	_ =	shalt  }
0x79: {  	_ =	shalt  }
0x7a: {  	_ =	shalt  }
0x7b: {  	_ =	shalt  }
0x7c: {  	_ =	shalt  }
0x7d: {  	_ =	shalt  }
0x7e: {  	_ =	shalt  }
0x7f: {  	_ =	shalt  }
0x80: {  	_ =	shalt  }
0x81: {  	_ =	shalt  }
0x82: {  	_ =	shalt  }
0x83: {  	_ =	shalt  }
0x84: {  	_ =	shalt  }
0x85: {  	_ =	shalt  }
0x86: {  	_ =	shalt  }
0x87: {  	_ =	shalt  }
.Lfunc_end0:
.L_simem_size_0:
called_computation_lowered:
.L_overlay_start_0:
0x88: {  	s2 =	sld [smem:$0x3FD9]  }
0x89: {  	s3 =	sld [smem:$0x3FFE];
	_ =	sdelay $0x1  }
0x8a: {  	s1 =	srdreg.scid  }
0x8b: {  	s0 =	sand.u32 $0x1, s1  }
0x8c: {  	s17 =	sshll.u32 s0, $0xA;
	s2 =	sadd.s32 s3, s2  }
0x8d: {  	s2 =	sadd.s32 s2, s17  }
0x8e: {  	[smem:$0x3FC4] =	sst s2  }
0x8f: {  	_ = 	snop  }
0x90: {  	s2 =	sld [smem:$0x3FC9];
	(tm) =	ssettm $0x1  }
0x91: {  	s18 =	sld [smem:$0x3FFB];
	_ =	sdelay $0x3  }
0x92: {  	_ =	strace s18  }
0x93: {  	s3 =	sld [smem:$0x3FFC];
	_ =	sdelay $0x3  }
0x94: {  	_ =	strace s3  }
0x95: {  	s3 =	sld [smem:$0x3FFD];
	_ =	sdelay $0x3  }
0x96: {  	_ =	strace s3  }
0x97: {  	_ =	strace $0x8FFFFFFF  }
0x98: {  	s19 =	sld [smem:$0x3FDB];
	_ =	sdelay $0x1  }
0x99: {  	s4 =	simm.s32 $_scs_section_size  }
0x9a: {  	s5 =	simm.s32 $_size__tile_overlayer_lowered;
	s6 =	simm.s32 $_tile_overlayer_lowered  }
0x9b: {  	s22 =	simm.s32 $0x1BFF;
	s21 =	sshll.u32 s6, $0x1;
	s3 =	sadd.s32 s4, s19  }
0x9c: {  	s7 =	simm.s32 $0x0;
	s20 =	sshll.u32 s5, $0x1;
	s5 =	sadd.s32 s21, s3  }
0x9d: {  	[timem:s7], [sflag:s22] =	dma.local [hbm:s5], s20  }
0x9e: {  	_ =	swait.ge [sflag:s22], s20  }
0x9f: {  	s4 =	ssub.s32 $0x0, s20;
	[sflag:s22] =	ssyncset.done $0x0  }
0xa0: {  	[sflag:s22] =	ssyncadd.s32 s4;
	_ =	sdelay $0x1  }
0xa1: {  	s23 =	simm.s32 $0x1B8B  }
0xa2: {  	_ =	swait.ge [sflag:s23], $0x1  }
0xa3: {  	[sflag:s23] =	ssyncset.done $0x0  }
0xa4: {  	s25 =	simm.s32 $0x1B8E;
	s24 =	sld [smem:$0x3FFE];
	[sflag:s23] =	ssyncadd.s32 $0xFFFFFFFF  }
0xa5: {  	s26 =	simm.s32 $execute0_lowered;
	[smem:$0x3FD2] =	sst s25  }
0xa6: {  	s5 =	sshll.u32 s26, $0x1;
	_ =	strace $0x80000046;
	[dreg:$0x1] =	wrdreg $0xFFFFFFFF  }
0xa7: {  	s28 =	simm.s32 $_size_execute0_lowered;
	s3 =	sadd.s32 s3, s5;
	[dreg:$0x0] =	wrdreg $0x0  }
0xa8: {  	s5 =	sshll.u32 s28, $0x1;
	[dreg:$0x2] =	wrdreg s3  }
0xa9: {  	[dreg:$0x3] =	wrdreg s5  }
0xaa: {  	[dreg:$0x4] =	wrdreg $0xC0  }
0xab: {  	_ =	task [dreg:s7], $0x5FFFF  }
0xac: {  	[dreg:$0x1] =	wrdreg $0xFFFFFFFF  }
0xad: {  	[dreg:$0x0] =	wrdreg $0x60  }
0xae: {  	[dreg:$0x2] =	wrdreg s2  }
0xaf: {  	[dreg:$0x3] =	wrdreg s24  }
0xb0: {  	[dreg:$0x4] =	wrdreg $0x9  }
0xb1: {  	_ =	task.clear_ibuf [dreg:s7], $0x5FFFF;
	_ =	strace $0x90000046  }
0xb2: {  	s29 =	simm.s32 $0x9;
	_ =	strace $0x80000048  }
0xb3: {  	_ =	swait.ge [sflag:s29], $0x1  }
0xb4: {  	[sflag:s29] =	ssyncadd.s32 $0xFFFFFFFF  }
0xb5: {  	_ =	strace $0x90000048  }
0xb6: {  	_ =	sfence  }
0xb7: {  	s30 =	sld [smem:$0x0];
	_ =	sdelay $0x2  }
0xb8: {  	s31 =	sshll.u32 s1, $0xD;
	s1 =	sshrl.u32 s1, $0x2  }
0xb9: {  	s3 =	sand.u32 $0x4000, s31;
	s1 =	sadd.s32 s1, s30  }
0xba: {  	s0 =	sor.u32 s3, s0;
	s1 =	sshll.u32 s1, $0x11  }
0xbb: {  	s0 =	sor.u32 s1, s0  }
0xbc: {  	s0 =	sadd.s32 $0x8F2B, s0  }
0xbd: {  	[sflag:s0] =	ssyncadd.remote.s32 $0x1  }
0xbe: {  	_ =	sfence.sel $0xFFFF  }
0xbf: {  	[dreg:$0x0] =	wrdreg $0xFFFFFFFF;
	(pc) =	sbr.abs _section_cstart, $3  }
0xc0: {  	[dreg:$0x1] =	wrdreg $0xFFFFFFFF  }
0xc1: {  	_ =	task.clear_ibuf [dreg:s7], $0x2FFFF;
	_ =	strace $0x9FFFFFFF  }
0xc2: {  	(tm) =	ssettm $0x7FFFFFFF  }
0xc3: {  	_ =	shalt  }
tec
execute0_lowered:
.L_overlay_start_1:
0x0: {  	(tag) =	ssettag $0x1  }
0x1: {  	s0 =	rddreg [dreg:$0x0]  }
0x2: {  	s1 =	rddreg [dreg:$0x1]  }
0x3: {  	s2 =	simm.s32 $0x0;
	s3 =	srdreg.scid;
	s4 =	stileid.u32  }
0x4: {  	s28 =	simm.s32 $0x900;
	s31 =	simm.s32 $0x1100;
	s30 =	simm.s32 $0x2  }
0x5: {  	s11 =	simm.s32 $0xA100;
	s13 =	simm.s32 $0xA900;
	s14 =	simm.s32 $0xB100  }
0x6: {  	[smem:$0x7FF] =	sst s2;
	s3 =	sand.u32 $0x1, s3;
	s4 =	sshll.u32 s4, $0x8  }
0x7: {  	s6 =	sadd.s32 $0xC00, s1;
	_ =	strace $0x80000047;
	s5 =	sshll.u32 s3, $0x7  }
0x8: {  	s7 =	ssub.s32 $0x2, s3;
	s3 =	sadd.s32 $0xE00, s1;
	s4 =	sor.u32 s5, s4  }
0x9: {  	s15 =	sshrl.u32 s7, $0x1;
	s8 =	sshrl.u32 s4, $0x3;
	s9 =	sshll.u32 s4, $0x7  }
0xa: {  	s10 =	sor.u32 $0x20, s4;
	s21 =	sor.u32 $0x40, s4;
	s7 =	ssub.s32 s7, s15  }
0xb: {  	s4 =	sor.u32 $0x60, s4;
	s15 =	simm.s32 $0xB900;
	s8 =	sadd.s32 s6, s8  }
0xc: {  	s16 =	sadd.s32 s0, s9;
	s17 =	sshrl.u32 s10, $0x3;
	s19 =	sshll.u32 s10, $0x7  }
0xd: {  	s22 =	sshrl.u32 s21, $0x3;
	s23 =	sshll.u32 s21, $0x7;
	s25 =	sshrl.u32 s4, $0x3  }
0xe: {  	s29 =	sshll.u32 s4, $0x7;
	s4 =	sadd.s32 $0xF00, s1;
	s7 =	smax.u32 s7, $0x1  }
0xf: {  	s10 =	simm.s32 $0x8100;
	s9 =	simm.s32 $0x9100;
	[dreg:$0x3] =	wrdreg s8  }
0x10: {  	s21 =	simm.s32 $0xE900;
	[dreg:$0x4] =	wrdreg s16;
	s18 =	sadd.s32 s6, s17  }
0x11: {  	s20 =	sadd.s32 s0, s19;
	s5 =	sadd.s32 s6, s22;
	s24 =	sadd.s32 s0, s23  }
0x12: {  	s26 =	sadd.s32 s6, s25;
	s0 =	sadd.s32 s0, s29;
	[dreg:$0x5] =	wrdreg s18  }
0x13: {  	s6 =	sadd.s32 $0x1100, s1;
	s8 =	simm.s32 $0x5;
	[dreg:$0x6] =	wrdreg s20  }
0x14: {  	s23 =	simm.s32 $0x8900;
	s16 =	simm.s32 $0xC100;
	[dreg:$0x7] =	wrdreg s5  }
0x15: {  	s17 =	simm.s32 $0xC900;
	s19 =	simm.s32 $0xD900;
	[dreg:$0x8] =	wrdreg s24  }
0x16: {  	v2 =	vlaneseq.u32;
	s22 =	simm.s32 $0xF100;
	[dreg:$0x9] =	wrdreg s26;
	s5 =	sadd.s32 $0x1000, s1  }
0x17: {  	vm0 =	vmmov $0xffff;
	v1 =	vshrl.u32 v2, $0x3;
	[dreg:$0xa] =	wrdreg s0;
	s24 =	simm.s32 $0x4;
	s1 =	simm.s32 $0x9900  }
0x18: {  	v0 =	vand.u32 $0x7, v2;
	v2 =	vor.u32 $0x8, v2;
	v1 =	vmul.u32 $0x8, v1;
	s18 =	simm.s32 $0xD100;
	s20 =	simm.s32 $0xE100;
	s26 =	simm.s32 $0xF900  }
.LBB2_1:
0x19: {  	s25 =	rddreg [dreg:$0x3]  }
0x1a: {  	[tilespmem:s2], [sflag:$0x5] =	stream.linear.gather [hbm4b:s25+s2], $0x20, $0x38;
	[tilespmem:$0x10100] =	vst v63  }
0x1b: {  	_ =	swait.ge [sflag:s8], $0x20  }
0x1c: {  	[sflag:s8] =	ssyncset.done $0x0  }
0x1d: {  	s12 =	simm.s32 $0x100;
	s29 =	rddreg [dreg:$0x4];
	[sflag:s8] =	ssyncadd.s32 $0xFFFFFFE0  }
0x1e: {  	[tilespmem:s12], [sflag:$0x1] =	stream.linear.gather [hbm4b:s29+s2], $0x8000, $0x38;
	[tilespmem:$0x10100] =	vst v63  }
0x1f: {  	s29 =	simm.s32 $0x1  }
0x20: {  	_ =	swait.ge [sflag:s29], $0x8000  }
0x21: {  	[sflag:s29] =	ssyncset.done $0x0  }
0x22: {  	s0 =	simm.s32 $0x80;
	s25 =	rddreg [dreg:$0x5];
	[sflag:s29] =	ssyncadd.s32 $0xFFFF8000  }
0x23: {  	[tilespmem:s0], [sflag:$0x5] =	stream.linear.gather [hbm4b:s25+s2], $0x20, $0x38;
	[tilespmem:$0x10100] =	vst v63  }
0x24: {  	_ =	swait.ge [sflag:s8], $0x20  }
0x25: {  	[sflag:s8] =	ssyncset.done $0x0  }
0x26: {  	s0 =	rddreg [dreg:$0x6];
	[sflag:s8] =	ssyncadd.s32 $0xFFFFFFE0  }
0x27: {  	[tilespmem:s10], [sflag:$0x2] =	stream.linear.gather [hbm4b:s0+s2], $0x8000, $0x38;
	[tilespmem:$0x10100] =	vst v63  }
0x28: {  	v3 =	vld [tilespmem:$0x0];
	_ =	sdelay $0x4  }
0x29: {  	v4 =	vshll.u32 v3, $0x3  }
0x2a: {  	v3 =	vand.u32 $0x7, v3;
	v4 =	vand.u32 $0xFFFFFFC0, v4  }
0x2b: {  	v3 =	vor.u32 v3, v4  }
0x2c: {  	v4 =	vperm.xlane v3, v0;
	_ =	sdelay $0x1  }
0x2d: {  	v4 =	vadd.s32 v1, v4;
	_ =	sdelay $0x4  }
0x2e: {  	[hbm4b:s3+s2] =	stream.indirect_vreg.scatter [tilespmem:s12], [sflag:$0x3], $0x80, v4, vm0, $0xb8;
	[tilespmem:$0x10100] =	vst v63  }
0x2f: {  	v3 =	vperm.xlane v3, v2  }
0x30: {  	[hbm4b:s4+s2] =	stream.indirect_vreg.scatter [tilespmem:s28], [sflag:$0x3], $0x80, v4, vm0, $0xb8;
	[tilespmem:$0x10100] =	vst v63  }
0x31: {  	v3 =	vadd.s32 v1, v3  }
0x32: {  	[hbm4b:s5+s2] =	stream.indirect_vreg.scatter [tilespmem:s31], [sflag:$0x3], $0x80, v4, vm0, $0xb8;
	[tilespmem:$0x10100] =	vst v63  }
0x33: {  	s25 =	simm.s32 $0x1900  }
0x34: {  	[hbm4b:s6+s2] =	stream.indirect_vreg.scatter [tilespmem:s25], [sflag:$0x3], $0x80, v4, vm0, $0xb8;
	[tilespmem:$0x10100] =	vst v63  }
0x35: {  	s25 =	simm.s32 $0x2100  }
0x36: {  	[hbm4b:s3+s2] =	stream.indirect_vreg.scatter [tilespmem:s25], [sflag:$0x3], $0x80, v3, vm0, $0xb8;
	[tilespmem:$0x10100] =	vst v63  }
0x37: {  	s25 =	simm.s32 $0x2900  }
0x38: {  	[hbm4b:s4+s2] =	stream.indirect_vreg.scatter [tilespmem:s25], [sflag:$0x3], $0x80, v3, vm0, $0xb8;
	[tilespmem:$0x10100] =	vst v63  }
0x39: {  	s25 =	simm.s32 $0x3100  }
0x3a: {  	[hbm4b:s5+s2] =	stream.indirect_vreg.scatter [tilespmem:s25], [sflag:$0x3], $0x80, v3, vm0, $0xb8;
	[tilespmem:$0x10100] =	vst v63  }
0x3b: {  	s25 =	simm.s32 $0x3900  }
0x3c: {  	[hbm4b:s6+s2] =	stream.indirect_vreg.scatter [tilespmem:s25], [sflag:$0x3], $0x80, v3, vm0, $0xb8;
	[tilespmem:$0x10100] =	vst v63  }
0x3d: {  	v3 =	vld [tilespmem:$0x10];
	_ =	sdelay $0x4  }
0x3e: {  	v57 =	vshll.u32 v3, $0x3  }
0x3f: {  	v3 =	vand.u32 $0x7, v3;
	v4 =	vand.u32 $0xFFFFFFC0, v57  }
0x40: {  	v3 =	vor.u32 v3, v4  }
0x41: {  	v4 =	vperm.xlane v3, v0;
	_ =	sdelay $0x1  }
0x42: {  	v4 =	vadd.s32 v1, v4;
	_ =	sdelay $0x3  }
0x43: {  	s25 =	simm.s32 $0x4100  }
0x44: {  	[hbm4b:s3+s2] =	stream.indirect_vreg.scatter [tilespmem:s25], [sflag:$0x3], $0x80, v4, vm0, $0xb8;
	[tilespmem:$0x10100] =	vst v63  }
0x45: {  	v3 =	vperm.xlane v3, v2;
	s25 =	simm.s32 $0x4900  }
0x46: {  	[hbm4b:s4+s2] =	stream.indirect_vreg.scatter [tilespmem:s25], [sflag:$0x3], $0x80, v4, vm0, $0xb8;
	[tilespmem:$0x10100] =	vst v63  }
0x47: {  	v3 =	vadd.s32 v1, v3;
	s25 =	simm.s32 $0x5100  }
0x48: {  	[hbm4b:s5+s2] =	stream.indirect_vreg.scatter [tilespmem:s25], [sflag:$0x3], $0x80, v4, vm0, $0xb8;
	[tilespmem:$0x10100] =	vst v63  }
0x49: {  	s25 =	simm.s32 $0x5900  }
0x4a: {  	[hbm4b:s6+s2] =	stream.indirect_vreg.scatter [tilespmem:s25], [sflag:$0x3], $0x80, v4, vm0, $0xb8;
	[tilespmem:$0x10100] =	vst v63  }
0x4b: {  	s25 =	simm.s32 $0x6100  }
0x4c: {  	[hbm4b:s3+s2] =	stream.indirect_vreg.scatter [tilespmem:s25], [sflag:$0x3], $0x80, v3, vm0, $0xb8;
	[tilespmem:$0x10100] =	vst v63  }
0x4d: {  	s25 =	simm.s32 $0x6900  }
0x4e: {  	[hbm4b:s4+s2] =	stream.indirect_vreg.scatter [tilespmem:s25], [sflag:$0x3], $0x80, v3, vm0, $0xb8;
	[tilespmem:$0x10100] =	vst v63  }
0x4f: {  	s25 =	simm.s32 $0x7100  }
0x50: {  	[hbm4b:s5+s2] =	stream.indirect_vreg.scatter [tilespmem:s25], [sflag:$0x3], $0x80, v3, vm0, $0xb8;
	[tilespmem:$0x10100] =	vst v63  }
0x51: {  	s25 =	simm.s32 $0x7900  }
0x52: {  	[hbm4b:s6+s2] =	stream.indirect_vreg.scatter [tilespmem:s25], [sflag:$0x3], $0x80, v3, vm0, $0xb8;
	[tilespmem:$0x10100] =	vst v63  }
0x53: {  	_ =	swait.ge [sflag:s30], $0x8000  }
0x54: {  	[sflag:s30] =	ssyncset.done $0x0  }
0x55: {  	s0 =	simm.s32 $0x3;
	[sflag:s30] =	ssyncadd.s32 $0xFFFF8000  }
0x56: {  	_ =	swait.ge [sflag:s0], $0x8000  }
0x57: {  	[sflag:s0] =	ssyncset.done $0x0  }
0x58: {  	s25 =	rddreg [dreg:$0x7];
	[sflag:s0] =	ssyncadd.s32 $0xFFFF8000  }
0x59: {  	[tilespmem:s2], [sflag:$0x5] =	stream.linear.gather [hbm4b:s25+s2], $0x20, $0x38;
	[tilespmem:$0x10100] =	vst v63  }
0x5a: {  	_ =	swait.ge [sflag:s8], $0x20  }
0x5b: {  	[sflag:s8] =	ssyncset.done $0x0  }
0x5c: {  	s25 =	rddreg [dreg:$0x8];
	[sflag:s8] =	ssyncadd.s32 $0xFFFFFFE0  }
0x5d: {  	[tilespmem:s12], [sflag:$0x1] =	stream.linear.gather [hbm4b:s25+s2], $0x8000, $0x38;
	[tilespmem:$0x10100] =	vst v63  }
0x5e: {  	v3 =	vld [tilespmem:$0x80];
	_ =	sdelay $0x4  }
0x5f: {  	v58 =	vshll.u32 v3, $0x3  }
0x60: {  	v3 =	vand.u32 $0x7, v3;
	v4 =	vand.u32 $0xFFFFFFC0, v58  }
0x61: {  	v3 =	vor.u32 v3, v4  }
0x62: {  	v4 =	vperm.xlane v3, v0;
	_ =	sdelay $0x1  }
0x63: {  	v4 =	vadd.s32 v1, v4;
	_ =	sdelay $0x4  }
0x64: {  	[hbm4b:s3+s2] =	stream.indirect_vreg.scatter [tilespmem:s10], [sflag:$0x4], $0x80, v4, vm0, $0xb8;
	[tilespmem:$0x10100] =	vst v63  }
0x65: {  	v3 =	vperm.xlane v3, v2  }
0x66: {  	[hbm4b:s4+s2] =	stream.indirect_vreg.scatter [tilespmem:s23], [sflag:$0x4], $0x80, v4, vm0, $0xb8;
	[tilespmem:$0x10100] =	vst v63  }
0x67: {  	v3 =	vadd.s32 v1, v3  }
0x68: {  	[hbm4b:s5+s2] =	stream.indirect_vreg.scatter [tilespmem:s9], [sflag:$0x4], $0x80, v4, vm0, $0xb8;
	[tilespmem:$0x10100] =	vst v63  }
0x69: {  	_ = 	snop  }
0x6a: {  	[hbm4b:s6+s2] =	stream.indirect_vreg.scatter [tilespmem:s1], [sflag:$0x4], $0x80, v4, vm0, $0xb8;
	[tilespmem:$0x10100] =	vst v63  }
0x6b: {  	_ = 	snop  }
0x6c: {  	[hbm4b:s3+s2] =	stream.indirect_vreg.scatter [tilespmem:s11], [sflag:$0x4], $0x80, v3, vm0, $0xb8;
	[tilespmem:$0x10100] =	vst v63  }
0x6d: {  	_ = 	snop  }
0x6e: {  	[hbm4b:s4+s2] =	stream.indirect_vreg.scatter [tilespmem:s13], [sflag:$0x4], $0x80, v3, vm0, $0xb8;
	[tilespmem:$0x10100] =	vst v63  }
0x6f: {  	_ = 	snop  }
0x70: {  	[hbm4b:s5+s2] =	stream.indirect_vreg.scatter [tilespmem:s14], [sflag:$0x4], $0x80, v3, vm0, $0xb8;
	[tilespmem:$0x10100] =	vst v63  }
0x71: {  	_ = 	snop  }
0x72: {  	[hbm4b:s6+s2] =	stream.indirect_vreg.scatter [tilespmem:s15], [sflag:$0x4], $0x80, v3, vm0, $0xb8;
	[tilespmem:$0x10100] =	vst v63  }
0x73: {  	v3 =	vld [tilespmem:$0x90];
	_ =	sdelay $0x4  }
0x74: {  	v59 =	vshll.u32 v3, $0x3  }
0x75: {  	v3 =	vand.u32 $0x7, v3;
	v4 =	vand.u32 $0xFFFFFFC0, v59  }
0x76: {  	v3 =	vor.u32 v3, v4  }
0x77: {  	v4 =	vperm.xlane v3, v0;
	_ =	sdelay $0x1  }
0x78: {  	v4 =	vadd.s32 v1, v4;
	_ =	sdelay $0x4  }
0x79: {  	[hbm4b:s3+s2] =	stream.indirect_vreg.scatter [tilespmem:s16], [sflag:$0x4], $0x80, v4, vm0, $0xb8;
	[tilespmem:$0x10100] =	vst v63  }
0x7a: {  	v3 =	vperm.xlane v3, v2  }
0x7b: {  	[hbm4b:s4+s2] =	stream.indirect_vreg.scatter [tilespmem:s17], [sflag:$0x4], $0x80, v4, vm0, $0xb8;
	[tilespmem:$0x10100] =	vst v63  }
0x7c: {  	v3 =	vadd.s32 v1, v3  }
0x7d: {  	[hbm4b:s5+s2] =	stream.indirect_vreg.scatter [tilespmem:s18], [sflag:$0x4], $0x80, v4, vm0, $0xb8;
	[tilespmem:$0x10100] =	vst v63  }
0x7e: {  	_ = 	snop  }
0x7f: {  	[hbm4b:s6+s2] =	stream.indirect_vreg.scatter [tilespmem:s19], [sflag:$0x4], $0x80, v4, vm0, $0xb8;
	[tilespmem:$0x10100] =	vst v63  }
0x80: {  	_ = 	snop  }
0x81: {  	[hbm4b:s3+s2] =	stream.indirect_vreg.scatter [tilespmem:s20], [sflag:$0x4], $0x80, v3, vm0, $0xb8;
	[tilespmem:$0x10100] =	vst v63  }
0x82: {  	_ = 	snop  }
0x83: {  	[hbm4b:s4+s2] =	stream.indirect_vreg.scatter [tilespmem:s21], [sflag:$0x4], $0x80, v3, vm0, $0xb8;
	[tilespmem:$0x10100] =	vst v63  }
0x84: {  	_ = 	snop  }
0x85: {  	[hbm4b:s5+s2] =	stream.indirect_vreg.scatter [tilespmem:s22], [sflag:$0x4], $0x80, v3, vm0, $0xb8;
	[tilespmem:$0x10100] =	vst v63  }
0x86: {  	_ = 	snop  }
0x87: {  	[hbm4b:s6+s2] =	stream.indirect_vreg.scatter [tilespmem:s26], [sflag:$0x4], $0x80, v3, vm0, $0xb8;
	[tilespmem:$0x10100] =	vst v63  }
0x88: {  	_ =	swait.ge [sflag:s29], $0x8000  }
0x89: {  	[sflag:s29] =	ssyncset.done $0x0  }
0x8a: {  	[sflag:s29] =	ssyncadd.s32 $0xFFFF8000  }
0x8b: {  	_ =	swait.ge [sflag:s24], $0x8000  }
0x8c: {  	[sflag:s24] =	ssyncset.done $0x0  }
0x8d: {  	s29 =	simm.s32 $0x80;
	s25 =	rddreg [dreg:$0x9];
	[sflag:s24] =	ssyncadd.s32 $0xFFFF8000  }
0x8e: {  	[tilespmem:s29], [sflag:$0x5] =	stream.linear.gather [hbm4b:s25+s2], $0x20, $0x38;
	[tilespmem:$0x10100] =	vst v63  }
0x8f: {  	_ =	swait.ge [sflag:s8], $0x20  }
0x90: {  	[sflag:s8] =	ssyncset.done $0x0  }
0x91: {  	s29 =	rddreg [dreg:$0xa];
	[sflag:s8] =	ssyncadd.s32 $0xFFFFFFE0  }
0x92: {  	[tilespmem:s10], [sflag:$0x2] =	stream.linear.gather [hbm4b:s29+s2], $0x8000, $0x38;
	[tilespmem:$0x10100] =	vst v63  }
0x93: {  	v3 =	vld [tilespmem:$0x0];
	_ =	sdelay $0x4  }
0x94: {  	v60 =	vshll.u32 v3, $0x3  }
0x95: {  	v3 =	vand.u32 $0x7, v3;
	v4 =	vand.u32 $0xFFFFFFC0, v60  }
0x96: {  	v3 =	vor.u32 v3, v4  }
0x97: {  	v4 =	vperm.xlane v3, v0;
	_ =	sdelay $0x1  }
0x98: {  	v4 =	vadd.s32 v1, v4;
	_ =	sdelay $0x4  }
0x99: {  	[hbm4b:s3+s2] =	stream.indirect_vreg.scatter [tilespmem:s12], [sflag:$0x3], $0x80, v4, vm0, $0xb8;
	[tilespmem:$0x10100] =	vst v63  }
0x9a: {  	v3 =	vperm.xlane v3, v2  }
0x9b: {  	[hbm4b:s4+s2] =	stream.indirect_vreg.scatter [tilespmem:s28], [sflag:$0x3], $0x80, v4, vm0, $0xb8;
	[tilespmem:$0x10100] =	vst v63  }
0x9c: {  	v3 =	vadd.s32 v1, v3  }
0x9d: {  	[hbm4b:s5+s2] =	stream.indirect_vreg.scatter [tilespmem:s31], [sflag:$0x3], $0x80, v4, vm0, $0xb8;
	[tilespmem:$0x10100] =	vst v63  }
0x9e: {  	s29 =	simm.s32 $0x1900  }
0x9f: {  	[hbm4b:s6+s2] =	stream.indirect_vreg.scatter [tilespmem:s29], [sflag:$0x3], $0x80, v4, vm0, $0xb8;
	[tilespmem:$0x10100] =	vst v63  }
0xa0: {  	s25 =	simm.s32 $0x2100  }
0xa1: {  	[hbm4b:s3+s2] =	stream.indirect_vreg.scatter [tilespmem:s25], [sflag:$0x3], $0x80, v3, vm0, $0xb8;
	[tilespmem:$0x10100] =	vst v63  }
0xa2: {  	s29 =	simm.s32 $0x2900  }
0xa3: {  	[hbm4b:s4+s2] =	stream.indirect_vreg.scatter [tilespmem:s29], [sflag:$0x3], $0x80, v3, vm0, $0xb8;
	[tilespmem:$0x10100] =	vst v63  }
0xa4: {  	s25 =	simm.s32 $0x3100  }
0xa5: {  	[hbm4b:s5+s2] =	stream.indirect_vreg.scatter [tilespmem:s25], [sflag:$0x3], $0x80, v3, vm0, $0xb8;
	[tilespmem:$0x10100] =	vst v63  }
0xa6: {  	s29 =	simm.s32 $0x3900  }
0xa7: {  	[hbm4b:s6+s2] =	stream.indirect_vreg.scatter [tilespmem:s29], [sflag:$0x3], $0x80, v3, vm0, $0xb8;
	[tilespmem:$0x10100] =	vst v63  }
0xa8: {  	v3 =	vld [tilespmem:$0x10];
	_ =	sdelay $0x4  }
0xa9: {  	v61 =	vshll.u32 v3, $0x3  }
0xaa: {  	v3 =	vand.u32 $0x7, v3;
	v4 =	vand.u32 $0xFFFFFFC0, v61  }
0xab: {  	v3 =	vor.u32 v3, v4  }
0xac: {  	v4 =	vperm.xlane v3, v0;
	_ =	sdelay $0x1  }
0xad: {  	v4 =	vadd.s32 v1, v4;
	_ =	sdelay $0x3  }
0xae: {  	s25 =	simm.s32 $0x4100  }
0xaf: {  	[hbm4b:s3+s2] =	stream.indirect_vreg.scatter [tilespmem:s25], [sflag:$0x3], $0x80, v4, vm0, $0xb8;
	[tilespmem:$0x10100] =	vst v63  }
0xb0: {  	s29 =	simm.s32 $0x4900;
	v3 =	vperm.xlane v3, v2  }
0xb1: {  	[hbm4b:s4+s2] =	stream.indirect_vreg.scatter [tilespmem:s29], [sflag:$0x3], $0x80, v4, vm0, $0xb8;
	[tilespmem:$0x10100] =	vst v63  }
0xb2: {  	v3 =	vadd.s32 v1, v3;
	s25 =	simm.s32 $0x5100  }
0xb3: {  	[hbm4b:s5+s2] =	stream.indirect_vreg.scatter [tilespmem:s25], [sflag:$0x3], $0x80, v4, vm0, $0xb8;
	[tilespmem:$0x10100] =	vst v63  }
0xb4: {  	s29 =	simm.s32 $0x5900  }
0xb5: {  	[hbm4b:s6+s2] =	stream.indirect_vreg.scatter [tilespmem:s29], [sflag:$0x3], $0x80, v4, vm0, $0xb8;
	[tilespmem:$0x10100] =	vst v63  }
0xb6: {  	s25 =	simm.s32 $0x6100  }
0xb7: {  	[hbm4b:s3+s2] =	stream.indirect_vreg.scatter [tilespmem:s25], [sflag:$0x3], $0x80, v3, vm0, $0xb8;
	[tilespmem:$0x10100] =	vst v63  }
0xb8: {  	s29 =	simm.s32 $0x6900  }
0xb9: {  	[hbm4b:s4+s2] =	stream.indirect_vreg.scatter [tilespmem:s29], [sflag:$0x3], $0x80, v3, vm0, $0xb8;
	[tilespmem:$0x10100] =	vst v63  }
0xba: {  	s25 =	simm.s32 $0x7100  }
0xbb: {  	[hbm4b:s5+s2] =	stream.indirect_vreg.scatter [tilespmem:s25], [sflag:$0x3], $0x80, v3, vm0, $0xb8;
	[tilespmem:$0x10100] =	vst v63  }
0xbc: {  	s29 =	simm.s32 $0x7900  }
0xbd: {  	[hbm4b:s6+s2] =	stream.indirect_vreg.scatter [tilespmem:s29], [sflag:$0x3], $0x80, v3, vm0, $0xb8;
	[tilespmem:$0x10100] =	vst v63  }
0xbe: {  	_ =	swait.ge [sflag:s30], $0x8000  }
0xbf: {  	[sflag:s30] =	ssyncset.done $0x0  }
0xc0: {  	[sflag:s30] =	ssyncadd.s32 $0xFFFF8000  }
0xc1: {  	v3 =	vld [tilespmem:$0x80];
	_ =	sdelay $0x4  }
0xc2: {  	v62 =	vshll.u32 v3, $0x3  }
0xc3: {  	v3 =	vand.u32 $0x7, v3;
	v4 =	vand.u32 $0xFFFFFFC0, v62  }
0xc4: {  	v3 =	vor.u32 v3, v4  }
0xc5: {  	v4 =	vperm.xlane v3, v0;
	_ =	sdelay $0x1  }
0xc6: {  	v4 =	vadd.s32 v1, v4;
	_ =	sdelay $0x4  }
0xc7: {  	[hbm4b:s3+s2] =	stream.indirect_vreg.scatter [tilespmem:s10], [sflag:$0x4], $0x80, v4, vm0, $0xb8;
	[tilespmem:$0x10100] =	vst v63  }
0xc8: {  	v3 =	vperm.xlane v3, v2  }
0xc9: {  	[hbm4b:s4+s2] =	stream.indirect_vreg.scatter [tilespmem:s23], [sflag:$0x4], $0x80, v4, vm0, $0xb8;
	[tilespmem:$0x10100] =	vst v63  }
0xca: {  	v3 =	vadd.s32 v1, v3  }
0xcb: {  	[hbm4b:s5+s2] =	stream.indirect_vreg.scatter [tilespmem:s9], [sflag:$0x4], $0x80, v4, vm0, $0xb8;
	[tilespmem:$0x10100] =	vst v63  }
0xcc: {  	_ = 	snop  }
0xcd: {  	[hbm4b:s6+s2] =	stream.indirect_vreg.scatter [tilespmem:s1], [sflag:$0x4], $0x80, v4, vm0, $0xb8;
	[tilespmem:$0x10100] =	vst v63  }
0xce: {  	_ = 	snop  }
0xcf: {  	[hbm4b:s3+s2] =	stream.indirect_vreg.scatter [tilespmem:s11], [sflag:$0x4], $0x80, v3, vm0, $0xb8;
	[tilespmem:$0x10100] =	vst v63  }
0xd0: {  	_ = 	snop  }
0xd1: {  	[hbm4b:s4+s2] =	stream.indirect_vreg.scatter [tilespmem:s13], [sflag:$0x4], $0x80, v3, vm0, $0xb8;
	[tilespmem:$0x10100] =	vst v63  }
0xd2: {  	_ = 	snop  }
0xd3: {  	[hbm4b:s5+s2] =	stream.indirect_vreg.scatter [tilespmem:s14], [sflag:$0x4], $0x80, v3, vm0, $0xb8;
	[tilespmem:$0x10100] =	vst v63  }
0xd4: {  	_ = 	snop  }
0xd5: {  	[hbm4b:s6+s2] =	stream.indirect_vreg.scatter [tilespmem:s15], [sflag:$0x4], $0x80, v3, vm0, $0xb8;
	[tilespmem:$0x10100] =	vst v63  }
0xd6: {  	v3 =	vld [tilespmem:$0x90];
	_ =	sdelay $0x4  }
0xd7: {  	v63 =	vshll.u32 v3, $0x3  }
0xd8: {  	v3 =	vand.u32 $0x7, v3;
	v4 =	vand.u32 $0xFFFFFFC0, v63  }
0xd9: {  	v3 =	vor.u32 v3, v4  }
0xda: {  	v4 =	vperm.xlane v3, v0;
	_ =	sdelay $0x1  }
0xdb: {  	v4 =	vadd.s32 v1, v4;
	_ =	sdelay $0x4  }
0xdc: {  	[hbm4b:s3+s2] =	stream.indirect_vreg.scatter [tilespmem:s16], [sflag:$0x4], $0x80, v4, vm0, $0xb8;
	[tilespmem:$0x10100] =	vst v63  }
0xdd: {  	v3 =	vperm.xlane v3, v2  }
0xde: {  	[hbm4b:s4+s2] =	stream.indirect_vreg.scatter [tilespmem:s17], [sflag:$0x4], $0x80, v4, vm0, $0xb8;
	[tilespmem:$0x10100] =	vst v63  }
0xdf: {  	v3 =	vadd.s32 v1, v3  }
0xe0: {  	[hbm4b:s5+s2] =	stream.indirect_vreg.scatter [tilespmem:s18], [sflag:$0x4], $0x80, v4, vm0, $0xb8;
	[tilespmem:$0x10100] =	vst v63  }
0xe1: {  	_ = 	snop  }
0xe2: {  	[hbm4b:s6+s2] =	stream.indirect_vreg.scatter [tilespmem:s19], [sflag:$0x4], $0x80, v4, vm0, $0xb8;
	[tilespmem:$0x10100] =	vst v63  }
0xe3: {  	_ = 	snop  }
0xe4: {  	[hbm4b:s3+s2] =	stream.indirect_vreg.scatter [tilespmem:s20], [sflag:$0x4], $0x80, v3, vm0, $0xb8;
	[tilespmem:$0x10100] =	vst v63  }
0xe5: {  	_ = 	snop  }
0xe6: {  	[hbm4b:s4+s2] =	stream.indirect_vreg.scatter [tilespmem:s21], [sflag:$0x4], $0x80, v3, vm0, $0xb8;
	[tilespmem:$0x10100] =	vst v63  }
0xe7: {  	_ = 	snop  }
0xe8: {  	[hbm4b:s5+s2] =	stream.indirect_vreg.scatter [tilespmem:s22], [sflag:$0x4], $0x80, v3, vm0, $0xb8;
	[tilespmem:$0x10100] =	vst v63  }
0xe9: {  	_ = 	snop  }
0xea: {  	[hbm4b:s6+s2] =	stream.indirect_vreg.scatter [tilespmem:s26], [sflag:$0x4], $0x80, v3, vm0, $0xb8;
	[tilespmem:$0x10100] =	vst v63  }
0xeb: {  	p0 =	sne.s32 s7, $0x1;
	_ =	swait.ge [sflag:s24], $0x8000  }
.Ltmp0:
0xec: {  	[sflag:s24] =	ssyncset.done $0x0;
	(pc) =	sbr.rel @p0 .LBB2_1-.Ltmp0, $4  }
0xed: {  	[sflag:s24] =	ssyncadd.s32 $0xFFFF8000  }
0xee: {  	_ =	swait.ge [sflag:s0], $0x8000  }
0xef: {  	[sflag:s0] =	ssyncset.done $0x0  }
0xf0: {  	s7 =	sadd.s32 $0xFFFFFFFF, s7;
	[sflag:s0] =	ssyncadd.s32 $0xFFFF8000  }
0xf1: {  	_ =	sfence.sel $0x180000  }
0xf2: {  	[bflag:$0x0] =	sbarrier.arrive $0xFFFF  }
0xf3: {  	_ =	strace $0x90000047  }
0xf4: {  	s0 =	stileid.u32;
	[bflag:$0x2] =	sbarrier.arrive $0xFFFF  }
0xf5: {  	p0 =	sne.s32 s0, $0x0;
	s0 =	rddreg [dreg:$0x2]  }
0xf6: {  	s0 =	sadd.s32 @!p0 $0x100000, s0  }
0xf7: {  	[sflag:s0] =	ssyncadd.tile.s32 @!p0 $0x1;
	_ =	shalt  }
.Lfunc_end2:
_tile_overlayer_lowered:
.L_overlay_start_2:
0xf8: {  	(tag) =	ssettag $0x2  }
0xf9: {  	s0 =	rddreg [dreg:$0x0];
	s2 =	stileid.u32  }
0xfa: {  	s1 =	rddreg [dreg:$0x1];
	p0 =	sne.s32 s2, $0x0  }
0xfb: {  	s3 =	rddreg [dreg:$0x2];
	[bflag:$0x3] =	sbarrier.arrive $0xFFFF;
	s2 =	simm.s32 @!p0 $0x1C05  }
0xfc: {  	[timem:s3], [sflag:s2] =	dma.local @!p0 [hbm:s0], s1  }
0xfd: {  	s0 =	simm.s32 @!p0 $0x5  }
0xfe: {  	_ =	swait.ge @!p0 [sflag:s0], s1  }
0xff: {  	s1 =	ssub.s32 @!p0 $0x0, s1;
	[sflag:s0] =	ssyncset.done @!p0 $0x0  }
0x100: {  	[sflag:s0] =	ssyncadd.s32 @!p0 s1  }
0x101: {  	[bflag:$0x3] =	sbarrier.arrive $0xFFFF  }
0x102: {  	_ =	shalt  }

// kernel: kernel.8.cloned.1.call-start
scs
__scs_entry_jumppad:
0x0: {  	(pc) =	sbr.rel $0x88, $3  }
0x1: {  	(tag) =	ssettag $0x0;
	lr =	simm.s32 $0x1  }
0x2: {  	[smem:$0x3F9D] =	sst lr;
	_ =	strace $0xD0000000  }
0x3: {  	_ = 	snop  }
0x4: {  	_ = 	snop  }
0x5: {  	_ = 	snop  }
0x6: {  	_ = 	snop  }
0x7: {  	_ = 	snop  }
__scs_overlays_trampoline_lowered:
0x8: {  	[smem:$0x3FAC] =	sst s0  }
0x9: {  	[smem:$0x3FAD] =	sst s1  }
0xa: {  	[smem:$0x3FAE] =	sst s2  }
0xb: {  	[smem:$0x3FAF] =	sst s3  }
0xc: {  	[smem:$0x3FB0] =	sst s4  }
0xd: {  	[smem:$0x3FB1] =	sst s5  }
0xe: {  	[smem:$0x3FB2] =	sst s6  }
0xf: {  	[smem:$0x3FB3] =	sst s7  }
0x10: {  	[smem:$0x3FB4] =	sst s8  }
0x11: {  	[smem:$0x3FB5] =	sst s9;
	s0 =	simm.s32 @!p0 $0x0  }
0x12: {  	s1 =	sld [smem:$0x3F9B];
	s0 =	simm.s32 @p0 $0x1  }
0x13: {  	[smem:$0x3FB6] =	sst s0;
	s0 =	simm.s32 @!p1 $0x0  }
0x14: {  	s2 =	sld [smem:$0x3F9A];
	s0 =	simm.s32 @p1 $0x1  }
0x15: {  	[smem:$0x3FB7] =	sst s0;
	s0 =	simm.s32 @!p2 $0x0  }
0x16: {  	s3 =	sld [smem:$0x3FDB];
	s0 =	simm.s32 @p2 $0x1  }
0x17: {  	s4 =	simm.s32 $0x1BF5;
	[smem:$0x3FB9] =	sst s0  }
0x18: {  	s0 =	sld [smem:$0x3F9C];
	_ =	swait.ge [sflag:s4], $0x0  }
0x19: {  	s7 =	sld [smem:$0x3F9D]  }
0x1a: {  	s8 =	sadd.s32 $0xFFFFE003, lr  }
0x1b: {  	s9 =	sadd.s32 $0xFFFFFEF7, lr;
	s5 =	simm.s32 $0xFFFFFFFF;
	p2 =	slt.u32 s8, $0xFFFFF086  }
0x1c: {  	p1 =	slt.u32 s9, $0xF7A;
	s5 =	simm.s32 @!p2 $0x0  }
0x1d: {  	s5 =	simm.s32 @p1 $0x1;
	p0 =	seq.s32 s7, s2  }
0x1e: {  	s7 =	smul.u32 @!p0 $0xF7A, s2;
	p2 =	seq.s32 @!p0 s5, $0x0  }
0x1f: {  	s9 =	smul.u32 $0xF7A, s1;
	s8 =	simm.s32 @!p0 $0x1BF5;
	p2 =	por !p2, p0  }
0x20: {  	[sflag:s8] =	ssyncset.s32 @!p0 $0xFFFFF086;
	s6 =	sadd.s32 @!p0 s3, s7;
	s7 =	simm.s32 @!p0 $0x108  }
0x21: {  	s3 =	sadd.s32 s3, s9;
	s6 =	sadd.s32 @!p0 $0x88, s6;
	s7 =	simm.s32 @p2 $0x1082  }
0x22: {  	[simem:s7], [sflag:s8] =	dma.local @!p0 [hbm:s6], $0xF7A  }
0x23: {  	s9 =	sor.u32 $0xD0000000, s2;
	s6 =	simm.s32 $0x108;
	_ =	swait.ge @!p0 [sflag:s8], $0x0  }
0x24: {  	s3 =	sadd.s32 $0x88, s3;
	s6 =	simm.s32 @!p1 $0x1082;
	[sflag:s4] =	ssyncset.s32 $0xFFFFF086  }
0x25: {  	[simem:s6], [sflag:s4] =	dma.local [hbm:s3], $0xF7A  }
0x26: {  	[smem:$0x3F9D] =	sst s1;
	(tag) =	ssettag s2;
	_ =	strace s9  }
0x27: {  	s1 =	sld [smem:$0x3FAD]  }
0x28: {  	s2 =	sld [smem:$0x3FAE]  }
0x29: {  	s4 =	sld [smem:$0x3FB0]  }
0x2a: {  	p0 =	seq.s32 s5, $0x0;
	s5 =	sld [smem:$0x3FB1]  }
0x2b: {  	s6 =	sld [smem:$0x3FB2]  }
0x2c: {  	s7 =	sld [smem:$0x3FB3]  }
0x2d: {  	s3 =	simm.s32 $0x108;
	s8 =	sld [smem:$0x3FB4]  }
0x2e: {  	s3 =	simm.s32 @!p0 $0x1082;
	s9 =	sld [smem:$0x3FB5]  }
0x2f: {  	lr =	sadd.s32 s0, s3;
	s0 =	sld [smem:$0x3FAC]  }
0x30: {  	s3 =	sld [smem:$0x3FAF]  }
0x31: {  	[smem:$0x3FB8] =	sst s10  }
0x32: {  	s10 =	sld [smem:$0x3FB6];
	_ =	sdelay $0x3  }
0x33: {  	p0 =	seq.s32 s10, $0x1;
	s10 =	sld [smem:$0x3FB8];
	_ =	sdelay $0x3  }
0x34: {  	[smem:$0x3FB8] =	sst s10  }
0x35: {  	s10 =	sld [smem:$0x3FB7];
	_ =	sdelay $0x3  }
0x36: {  	p1 =	seq.s32 s10, $0x1;
	s10 =	sld [smem:$0x3FB8];
	_ =	sdelay $0x3  }
0x37: {  	[smem:$0x3FB8] =	sst s10  }
0x38: {  	s10 =	sld [smem:$0x3FB9]  }
0x39: {  	_ = 	snop;
	(pc) =	sbr.ind lr, $3  }
0x3a: {  	_ = 	snop  }
0x3b: {  	_ = 	snop  }
0x3c: {  	p2 =	seq.s32 s10, $0x1;
	s10 =	sld [smem:$0x3FB8]  }
0x3d: {  	_ =	shalt  }
0x3e: {  	_ =	shalt  }
0x3f: {  	_ =	shalt  }
0x40: {  	_ =	shalt  }
0x41: {  	_ =	shalt  }
0x42: {  	_ =	shalt  }
0x43: {  	_ =	shalt  }
0x44: {  	_ =	shalt  }
0x45: {  	_ =	shalt  }
0x46: {  	_ =	shalt  }
0x47: {  	_ =	shalt  }
0x48: {  	_ =	shalt  }
0x49: {  	_ =	shalt  }
0x4a: {  	_ =	shalt  }
0x4b: {  	_ =	shalt  }
0x4c: {  	_ =	shalt  }
0x4d: {  	_ =	shalt  }
0x4e: {  	_ =	shalt  }
0x4f: {  	_ =	shalt  }
0x50: {  	_ =	shalt  }
0x51: {  	_ =	shalt  }
0x52: {  	_ =	shalt  }
0x53: {  	_ =	shalt  }
0x54: {  	_ =	shalt  }
0x55: {  	_ =	shalt  }
0x56: {  	_ =	shalt  }
0x57: {  	_ =	shalt  }
0x58: {  	_ =	shalt  }
0x59: {  	_ =	shalt  }
0x5a: {  	_ =	shalt  }
0x5b: {  	_ =	shalt  }
0x5c: {  	_ =	shalt  }
0x5d: {  	_ =	shalt  }
0x5e: {  	_ =	shalt  }
0x5f: {  	_ =	shalt  }
0x60: {  	_ =	shalt  }
0x61: {  	_ =	shalt  }
0x62: {  	_ =	shalt  }
0x63: {  	_ =	shalt  }
0x64: {  	_ =	shalt  }
0x65: {  	_ =	shalt  }
0x66: {  	_ =	shalt  }
0x67: {  	_ =	shalt  }
0x68: {  	_ =	shalt  }
0x69: {  	_ =	shalt  }
0x6a: {  	_ =	shalt  }
0x6b: {  	_ =	shalt  }
0x6c: {  	_ =	shalt  }
0x6d: {  	_ =	shalt  }
0x6e: {  	_ =	shalt  }
0x6f: {  	_ =	shalt  }
0x70: {  	_ =	shalt  }
0x71: {  	_ =	shalt  }
0x72: {  	_ =	shalt  }
0x73: {  	_ =	shalt  }
0x74: {  	_ =	shalt  }
0x75: {  	_ =	shalt  }
0x76: {  	_ =	shalt  }
0x77: {  	_ =	shalt  }
0x78: {  	_ =	shalt  }
0x79: {  	_ =	shalt  }
0x7a: {  	_ =	shalt  }
0x7b: {  	_ =	shalt  }
0x7c: {  	_ =	shalt  }
0x7d: {  	_ =	shalt  }
0x7e: {  	_ =	shalt  }
0x7f: {  	_ =	shalt  }
0x80: {  	_ =	shalt  }
0x81: {  	_ =	shalt  }
0x82: {  	_ =	shalt  }
0x83: {  	_ =	shalt  }
0x84: {  	_ =	shalt  }
0x85: {  	_ =	shalt  }
0x86: {  	_ =	shalt  }
0x87: {  	_ =	shalt  }
.Lfunc_end0:
.L_simem_size_0:
called_computation.1_lowered:
.L_overlay_start_0:
0x88: {  	s2 =	sld [smem:$0x3FD9]  }
0x89: {  	s3 =	sld [smem:$0x3FFE];
	_ =	sdelay $0x1  }
0x8a: {  	s1 =	srdreg.scid  }
0x8b: {  	s0 =	sand.u32 $0x1, s1  }
0x8c: {  	s17 =	sshll.u32 s0, $0xA;
	s2 =	sadd.s32 s3, s2  }
0x8d: {  	s2 =	sadd.s32 s2, s17  }
0x8e: {  	[smem:$0x3FC4] =	sst s2  }
0x8f: {  	_ = 	snop  }
0x90: {  	s2 =	sld [smem:$0x3FD0];
	(tm) =	ssettm $0x1  }
0x91: {  	s18 =	sld [smem:$0x3FFB];
	_ =	sdelay $0x3  }
0x92: {  	_ =	strace s18  }
0x93: {  	s3 =	sld [smem:$0x3FFC];
	_ =	sdelay $0x3  }
0x94: {  	_ =	strace s3  }
0x95: {  	s3 =	sld [smem:$0x3FFD];
	_ =	sdelay $0x3  }
0x96: {  	_ =	strace s3  }
0x97: {  	_ =	strace $0x8FFFFFFF  }
0x98: {  	s19 =	sld [smem:$0x3FDB];
	_ =	sdelay $0x1  }
0x99: {  	s4 =	simm.s32 $_scs_section_size  }
0x9a: {  	s5 =	simm.s32 $_size__tile_overlayer_lowered;
	s6 =	simm.s32 $_tile_overlayer_lowered  }
0x9b: {  	s22 =	simm.s32 $0x1BFF;
	s21 =	sshll.u32 s6, $0x1;
	s3 =	sadd.s32 s4, s19  }
0x9c: {  	s7 =	simm.s32 $0x0;
	s20 =	sshll.u32 s5, $0x1;
	s5 =	sadd.s32 s21, s3  }
0x9d: {  	[timem:s7], [sflag:s22] =	dma.local [hbm:s5], s20  }
0x9e: {  	_ =	swait.ge [sflag:s22], s20  }
0x9f: {  	s4 =	ssub.s32 $0x0, s20;
	[sflag:s22] =	ssyncset.done $0x0  }
0xa0: {  	[sflag:s22] =	ssyncadd.s32 s4;
	_ =	sdelay $0x1  }
0xa1: {  	s23 =	simm.s32 $0x1B8B  }
0xa2: {  	_ =	swait.ge [sflag:s23], $0x1  }
0xa3: {  	[sflag:s23] =	ssyncset.done $0x0  }
0xa4: {  	s25 =	simm.s32 $0x1B8E;
	s24 =	sld [smem:$0x3FFE];
	[sflag:s23] =	ssyncadd.s32 $0xFFFFFFFF  }
0xa5: {  	s26 =	simm.s32 $execute0_lowered;
	[smem:$0x3FD2] =	sst s25  }
0xa6: {  	s5 =	sshll.u32 s26, $0x1;
	_ =	strace $0x80000049;
	[dreg:$0x1] =	wrdreg $0xFFFFFFFF  }
0xa7: {  	s28 =	simm.s32 $_size_execute0_lowered;
	s3 =	sadd.s32 s3, s5;
	[dreg:$0x0] =	wrdreg $0x0  }
0xa8: {  	s5 =	sshll.u32 s28, $0x1;
	[dreg:$0x2] =	wrdreg s3  }
0xa9: {  	[dreg:$0x3] =	wrdreg s5  }
0xaa: {  	[dreg:$0x4] =	wrdreg $0xC0  }
0xab: {  	_ =	task [dreg:s7], $0x5FFFF  }
0xac: {  	[dreg:$0x1] =	wrdreg $0xFFFFFFFF  }
0xad: {  	[dreg:$0x0] =	wrdreg $0x60  }
0xae: {  	[dreg:$0x2] =	wrdreg s24  }
0xaf: {  	[dreg:$0x3] =	wrdreg s2  }
0xb0: {  	[dreg:$0x4] =	wrdreg $0x9  }
0xb1: {  	_ =	task.clear_ibuf [dreg:s7], $0x5FFFF;
	_ =	strace $0x90000049  }
0xb2: {  	s29 =	simm.s32 $0x9;
	_ =	strace $0x8000004B  }
0xb3: {  	_ =	swait.ge [sflag:s29], $0x1  }
0xb4: {  	[sflag:s29] =	ssyncadd.s32 $0xFFFFFFFF  }
0xb5: {  	_ =	strace $0x9000004B  }
0xb6: {  	_ =	sfence  }
0xb7: {  	s30 =	sld [smem:$0x0];
	_ =	sdelay $0x2  }
0xb8: {  	s31 =	sshll.u32 s1, $0xD;
	s1 =	sshrl.u32 s1, $0x2  }
0xb9: {  	s3 =	sand.u32 $0x4000, s31;
	s1 =	sadd.s32 s1, s30  }
0xba: {  	s0 =	sor.u32 s3, s0;
	s1 =	sshll.u32 s1, $0x11  }
0xbb: {  	s0 =	sor.u32 s1, s0  }
0xbc: {  	s0 =	sadd.s32 $0x8F2B, s0  }
0xbd: {  	[sflag:s0] =	ssyncadd.remote.s32 $0x1  }
0xbe: {  	_ =	sfence.sel $0xFFFF  }
0xbf: {  	[dreg:$0x0] =	wrdreg $0xFFFFFFFF;
	(pc) =	sbr.abs _section_cstart, $3  }
0xc0: {  	[dreg:$0x1] =	wrdreg $0xFFFFFFFF  }
0xc1: {  	_ =	task.clear_ibuf [dreg:s7], $0x2FFFF;
	_ =	strace $0x9FFFFFFF  }
0xc2: {  	(tm) =	ssettm $0x7FFFFFFF  }
0xc3: {  	_ =	shalt  }
tec
execute0_lowered:
.L_overlay_start_1:
0x0: {  	(tag) =	ssettag $0x1  }
0x1: {  	s0 =	rddreg [dreg:$0x0]  }
0x2: {  	s1 =	rddreg [dreg:$0x1];
	s2 =	simm.s32 $0x0;
	s3 =	srdreg.scid  }
0x3: {  	s5 =	stileid.u32;
	s28 =	simm.s32 $0x2900;
	s29 =	simm.s32 $0x3100  }
0x4: {  	s30 =	simm.s32 $0x3900;
	s31 =	simm.s32 $0x4100;
	s11 =	simm.s32 $0x6100  }
0x5: {  	s12 =	simm.s32 $0x6900;
	s13 =	simm.s32 $0x7100;
	[smem:$0x7FF] =	sst s2  }
0x6: {  	s4 =	sand.u32 $0x1, s3;
	s3 =	sadd.s32 $0xB8E00, s0;
	s5 =	sshll.u32 s5, $0x8  }
0x7: {  	s7 =	sadd.s32 $0xC00, s0;
	s6 =	sshll.u32 s4, $0x7;
	s4 =	ssub.s32 $0x2, s4  }
0x8: {  	_ =	strace $0x8000004A;
	s5 =	sor.u32 s6, s5;
	s14 =	sshrl.u32 s4, $0x1  }
0x9: {  	s8 =	sshrl.u32 s5, $0x3;
	s9 =	sor.u32 $0x20, s5;
	s10 =	ssub.s32 s4, s14  }
0xa: {  	s18 =	sshll.u32 s5, $0x7;
	s19 =	sor.u32 $0x40, s5;
	s4 =	sadd.s32 $0xB8F00, s0  }
0xb: {  	s5 =	sor.u32 $0x60, s5;
	s14 =	simm.s32 $0x7900;
	s15 =	sadd.s32 s7, s8  }
0xc: {  	s16 =	sshrl.u32 s9, $0x3;
	s6 =	sadd.s32 s1, s18;
	s20 =	sshrl.u32 s19, $0x3  }
0xd: {  	s9 =	sshll.u32 s9, $0x7;
	s22 =	sshrl.u32 s5, $0x3;
	s24 =	sshll.u32 s19, $0x7  }
0xe: {  	s26 =	sshll.u32 s5, $0x7;
	s5 =	sadd.s32 $0xB9000, s0;
	s8 =	simm.s32 $0x3  }
0xf: {  	s19 =	simm.s32 $0x1;
	s18 =	simm.s32 $0x9900;
	[dreg:$0x3] =	wrdreg s15  }
0x10: {  	s17 =	sadd.s32 s7, s16;
	[dreg:$0x5] =	wrdreg s6;
	s6 =	sadd.s32 s7, s20  }
0x11: {  	s21 =	sadd.s32 s1, s9;
	s23 =	sadd.s32 s7, s22;
	s25 =	sadd.s32 s1, s24  }
0x12: {  	s1 =	sadd.s32 s1, s26;
	s7 =	smax.u32 s10, $0x1;
	[dreg:$0x4] =	wrdreg s17  }
0x13: {  	s20 =	simm.s32 $0x2;
	s26 =	simm.s32 $0x100;
	[dreg:$0x6] =	wrdreg s6  }
0x14: {  	s22 =	simm.s32 $0x900;
	s24 =	simm.s32 $0x1900;
	[dreg:$0x7] =	wrdreg s21  }
0x15: {  	s9 =	simm.s32 $0x4900;
	s10 =	simm.s32 $0x5900;
	[dreg:$0x8] =	wrdreg s23  }
0x16: {  	v2 =	vlaneseq.u32;
	s15 =	simm.s32 $0x80;
	s16 =	simm.s32 $0x8900;
	[dreg:$0x9] =	wrdreg s25  }
0x17: {  	vm0 =	vmmov $0xffff;
	v1 =	vshrl.u32 v2, $0x3;
	s6 =	sadd.s32 $0xB9100, s0;
	[dreg:$0xa] =	wrdreg s1;
	s23 =	simm.s32 $0x1100  }
0x18: {  	v0 =	vand.u32 $0x7, v2;
	v2 =	vor.u32 $0x8, v2;
	v1 =	vmul.u32 $0x8, v1;
	s25 =	simm.s32 $0x2100;
	s0 =	simm.s32 $0x8100;
	s17 =	simm.s32 $0x9100  }
.LBB2_1:
0x19: {  	s21 =	rddreg [dreg:$0x3]  }
0x1a: {  	[tilespmem:s2], [sflag:$0x3] =	stream.linear.gather [hbm4b:s21+s2], $0x20, $0x38;
	[tilespmem:$0x10100] =	vst v63  }
0x1b: {  	_ =	swait.ge [sflag:s8], $0x20  }
0x1c: {  	[sflag:s8] =	ssyncset.done $0x0  }
0x1d: {  	[sflag:s8] =	ssyncadd.s32 $0xFFFFFFE0  }
0x1e: {  	v3 =	vld [tilespmem:$0x0];
	_ =	sdelay $0x4  }
0x1f: {  	v4 =	vshll.u32 v3, $0x3  }
0x20: {  	v3 =	vand.u32 $0x7, v3;
	v4 =	vand.u32 $0xFFFFFFC0, v4  }
0x21: {  	v3 =	vor.u32 v3, v4  }
0x22: {  	v4 =	vperm.xlane v3, v0;
	_ =	sdelay $0x1  }
0x23: {  	v4 =	vadd.s32 v1, v4;
	_ =	sdelay $0x4  }
0x24: {  	[tilespmem:s26], [sflag:$0x1] =	stream.indirect_vreg.gather [hbm4b:s3+s2], $0x80, v4, vm0, $0xb8;
	[tilespmem:$0x10100] =	vst v63  }
0x25: {  	v3 =	vperm.xlane v3, v2  }
0x26: {  	[tilespmem:s22], [sflag:$0x1] =	stream.indirect_vreg.gather [hbm4b:s4+s2], $0x80, v4, vm0, $0xb8;
	[tilespmem:$0x10100] =	vst v63  }
0x27: {  	v3 =	vadd.s32 v1, v3  }
0x28: {  	[tilespmem:s23], [sflag:$0x1] =	stream.indirect_vreg.gather [hbm4b:s5+s2], $0x80, v4, vm0, $0xb8;
	[tilespmem:$0x10100] =	vst v63  }
0x29: {  	_ = 	snop  }
0x2a: {  	[tilespmem:s24], [sflag:$0x1] =	stream.indirect_vreg.gather [hbm4b:s6+s2], $0x80, v4, vm0, $0xb8;
	[tilespmem:$0x10100] =	vst v63  }
0x2b: {  	_ = 	snop  }
0x2c: {  	[tilespmem:s25], [sflag:$0x1] =	stream.indirect_vreg.gather [hbm4b:s3+s2], $0x80, v3, vm0, $0xb8;
	[tilespmem:$0x10100] =	vst v63  }
0x2d: {  	_ = 	snop  }
0x2e: {  	[tilespmem:s28], [sflag:$0x1] =	stream.indirect_vreg.gather [hbm4b:s4+s2], $0x80, v3, vm0, $0xb8;
	[tilespmem:$0x10100] =	vst v63  }
0x2f: {  	_ = 	snop  }
0x30: {  	[tilespmem:s29], [sflag:$0x1] =	stream.indirect_vreg.gather [hbm4b:s5+s2], $0x80, v3, vm0, $0xb8;
	[tilespmem:$0x10100] =	vst v63  }
0x31: {  	_ = 	snop  }
0x32: {  	[tilespmem:s30], [sflag:$0x1] =	stream.indirect_vreg.gather [hbm4b:s6+s2], $0x80, v3, vm0, $0xb8;
	[tilespmem:$0x10100] =	vst v63  }
0x33: {  	v3 =	vld [tilespmem:$0x10];
	_ =	sdelay $0x4  }
0x34: {  	v57 =	vshll.u32 v3, $0x3  }
0x35: {  	v3 =	vand.u32 $0x7, v3;
	v4 =	vand.u32 $0xFFFFFFC0, v57  }
0x36: {  	v3 =	vor.u32 v3, v4  }
0x37: {  	v4 =	vperm.xlane v3, v0;
	_ =	sdelay $0x1  }
0x38: {  	v4 =	vadd.s32 v1, v4;
	_ =	sdelay $0x4  }
0x39: {  	[tilespmem:s31], [sflag:$0x1] =	stream.indirect_vreg.gather [hbm4b:s3+s2], $0x80, v4, vm0, $0xb8;
	[tilespmem:$0x10100] =	vst v63  }
0x3a: {  	v3 =	vperm.xlane v3, v2  }
0x3b: {  	[tilespmem:s9], [sflag:$0x1] =	stream.indirect_vreg.gather [hbm4b:s4+s2], $0x80, v4, vm0, $0xb8;
	[tilespmem:$0x10100] =	vst v63  }
0x3c: {  	s1 =	simm.s32 $0x5100;
	v3 =	vadd.s32 v1, v3  }
0x3d: {  	[tilespmem:s1], [sflag:$0x1] =	stream.indirect_vreg.gather [hbm4b:s5+s2], $0x80, v4, vm0, $0xb8;
	[tilespmem:$0x10100] =	vst v63  }
0x3e: {  	_ = 	snop  }
0x3f: {  	[tilespmem:s10], [sflag:$0x1] =	stream.indirect_vreg.gather [hbm4b:s6+s2], $0x80, v4, vm0, $0xb8;
	[tilespmem:$0x10100] =	vst v63  }
0x40: {  	_ = 	snop  }
0x41: {  	[tilespmem:s11], [sflag:$0x1] =	stream.indirect_vreg.gather [hbm4b:s3+s2], $0x80, v3, vm0, $0xb8;
	[tilespmem:$0x10100] =	vst v63  }
0x42: {  	_ = 	snop  }
0x43: {  	[tilespmem:s12], [sflag:$0x1] =	stream.indirect_vreg.gather [hbm4b:s4+s2], $0x80, v3, vm0, $0xb8;
	[tilespmem:$0x10100] =	vst v63  }
0x44: {  	_ = 	snop  }
0x45: {  	[tilespmem:s13], [sflag:$0x1] =	stream.indirect_vreg.gather [hbm4b:s5+s2], $0x80, v3, vm0, $0xb8;
	[tilespmem:$0x10100] =	vst v63  }
0x46: {  	_ = 	snop  }
0x47: {  	[tilespmem:s14], [sflag:$0x1] =	stream.indirect_vreg.gather [hbm4b:s6+s2], $0x80, v3, vm0, $0xb8;
	[tilespmem:$0x10100] =	vst v63  }
0x48: {  	s21 =	rddreg [dreg:$0x4]  }
0x49: {  	[tilespmem:s15], [sflag:$0x3] =	stream.linear.gather [hbm4b:s21+s2], $0x20, $0x38;
	[tilespmem:$0x10100] =	vst v63  }
0x4a: {  	_ =	swait.ge [sflag:s8], $0x20  }
0x4b: {  	[sflag:s8] =	ssyncset.done $0x0  }
0x4c: {  	[sflag:s8] =	ssyncadd.s32 $0xFFFFFFE0  }
0x4d: {  	v3 =	vld [tilespmem:$0x80];
	_ =	sdelay $0x4  }
0x4e: {  	v58 =	vshll.u32 v3, $0x3  }
0x4f: {  	v3 =	vand.u32 $0x7, v3;
	v4 =	vand.u32 $0xFFFFFFC0, v58  }
0x50: {  	v3 =	vor.u32 v3, v4  }
0x51: {  	v4 =	vperm.xlane v3, v0;
	_ =	sdelay $0x1  }
0x52: {  	v4 =	vadd.s32 v1, v4;
	_ =	sdelay $0x4  }
0x53: {  	[tilespmem:s0], [sflag:$0x2] =	stream.indirect_vreg.gather [hbm4b:s3+s2], $0x80, v4, vm0, $0xb8;
	[tilespmem:$0x10100] =	vst v63  }
0x54: {  	v3 =	vperm.xlane v3, v2  }
0x55: {  	[tilespmem:s16], [sflag:$0x2] =	stream.indirect_vreg.gather [hbm4b:s4+s2], $0x80, v4, vm0, $0xb8;
	[tilespmem:$0x10100] =	vst v63  }
0x56: {  	v3 =	vadd.s32 v1, v3  }
0x57: {  	[tilespmem:s17], [sflag:$0x2] =	stream.indirect_vreg.gather [hbm4b:s5+s2], $0x80, v4, vm0, $0xb8;
	[tilespmem:$0x10100] =	vst v63  }
0x58: {  	_ = 	snop  }
0x59: {  	[tilespmem:s18], [sflag:$0x2] =	stream.indirect_vreg.gather [hbm4b:s6+s2], $0x80, v4, vm0, $0xb8;
	[tilespmem:$0x10100] =	vst v63  }
0x5a: {  	s21 =	simm.s32 $0xA100  }
0x5b: {  	[tilespmem:s21], [sflag:$0x2] =	stream.indirect_vreg.gather [hbm4b:s3+s2], $0x80, v3, vm0, $0xb8;
	[tilespmem:$0x10100] =	vst v63  }
0x5c: {  	s21 =	simm.s32 $0xA900  }
0x5d: {  	[tilespmem:s21], [sflag:$0x2] =	stream.indirect_vreg.gather [hbm4b:s4+s2], $0x80, v3, vm0, $0xb8;
	[tilespmem:$0x10100] =	vst v63  }
0x5e: {  	s21 =	simm.s32 $0xB100  }
0x5f: {  	[tilespmem:s21], [sflag:$0x2] =	stream.indirect_vreg.gather [hbm4b:s5+s2], $0x80, v3, vm0, $0xb8;
	[tilespmem:$0x10100] =	vst v63  }
0x60: {  	s21 =	simm.s32 $0xB900  }
0x61: {  	[tilespmem:s21], [sflag:$0x2] =	stream.indirect_vreg.gather [hbm4b:s6+s2], $0x80, v3, vm0, $0xb8;
	[tilespmem:$0x10100] =	vst v63  }
0x62: {  	v3 =	vld [tilespmem:$0x90];
	_ =	sdelay $0x4  }
0x63: {  	v59 =	vshll.u32 v3, $0x3  }
0x64: {  	v3 =	vand.u32 $0x7, v3;
	v4 =	vand.u32 $0xFFFFFFC0, v59  }
0x65: {  	v3 =	vor.u32 v3, v4  }
0x66: {  	v4 =	vperm.xlane v3, v0;
	_ =	sdelay $0x1  }
0x67: {  	v4 =	vadd.s32 v1, v4;
	_ =	sdelay $0x3  }
0x68: {  	s21 =	simm.s32 $0xC100  }
0x69: {  	[tilespmem:s21], [sflag:$0x2] =	stream.indirect_vreg.gather [hbm4b:s3+s2], $0x80, v4, vm0, $0xb8;
	[tilespmem:$0x10100] =	vst v63  }
0x6a: {  	v3 =	vperm.xlane v3, v2;
	s21 =	simm.s32 $0xC900  }
0x6b: {  	[tilespmem:s21], [sflag:$0x2] =	stream.indirect_vreg.gather [hbm4b:s4+s2], $0x80, v4, vm0, $0xb8;
	[tilespmem:$0x10100] =	vst v63  }
0x6c: {  	v3 =	vadd.s32 v1, v3;
	s21 =	simm.s32 $0xD100  }
0x6d: {  	[tilespmem:s21], [sflag:$0x2] =	stream.indirect_vreg.gather [hbm4b:s5+s2], $0x80, v4, vm0, $0xb8;
	[tilespmem:$0x10100] =	vst v63  }
0x6e: {  	s21 =	simm.s32 $0xD900  }
0x6f: {  	[tilespmem:s21], [sflag:$0x2] =	stream.indirect_vreg.gather [hbm4b:s6+s2], $0x80, v4, vm0, $0xb8;
	[tilespmem:$0x10100] =	vst v63  }
0x70: {  	s21 =	simm.s32 $0xE100  }
0x71: {  	[tilespmem:s21], [sflag:$0x2] =	stream.indirect_vreg.gather [hbm4b:s3+s2], $0x80, v3, vm0, $0xb8;
	[tilespmem:$0x10100] =	vst v63  }
0x72: {  	s21 =	simm.s32 $0xE900  }
0x73: {  	[tilespmem:s21], [sflag:$0x2] =	stream.indirect_vreg.gather [hbm4b:s4+s2], $0x80, v3, vm0, $0xb8;
	[tilespmem:$0x10100] =	vst v63  }
0x74: {  	s21 =	simm.s32 $0xF100  }
0x75: {  	[tilespmem:s21], [sflag:$0x2] =	stream.indirect_vreg.gather [hbm4b:s5+s2], $0x80, v3, vm0, $0xb8;
	[tilespmem:$0x10100] =	vst v63  }
0x76: {  	s21 =	simm.s32 $0xF900  }
0x77: {  	[tilespmem:s21], [sflag:$0x2] =	stream.indirect_vreg.gather [hbm4b:s6+s2], $0x80, v3, vm0, $0xb8;
	[tilespmem:$0x10100] =	vst v63  }
0x78: {  	_ =	swait.ge [sflag:s19], $0x8000  }
0x79: {  	[sflag:s19] =	ssyncset.done $0x0  }
0x7a: {  	s21 =	rddreg [dreg:$0x5];
	[sflag:s19] =	ssyncadd.s32 $0xFFFF8000  }
0x7b: {  	[hbm4b:s21+s2] =	stream.linear.scatter [tilespmem:s26], [sflag:$0x3], $0x8000, $0x38;
	[tilespmem:$0x10100] =	vst v63  }
0x7c: {  	_ =	swait.ge [sflag:s8], $0x8000  }
0x7d: {  	[sflag:s8] =	ssyncset.done $0x0  }
0x7e: {  	s21 =	rddreg [dreg:$0x6];
	[sflag:s8] =	ssyncadd.s32 $0xFFFF8000  }
0x7f: {  	[tilespmem:s2], [sflag:$0x3] =	stream.linear.gather [hbm4b:s21+s2], $0x20, $0x38;
	[tilespmem:$0x10100] =	vst v63  }
0x80: {  	_ =	swait.ge [sflag:s8], $0x20  }
0x81: {  	[sflag:s8] =	ssyncset.done $0x0  }
0x82: {  	[sflag:s8] =	ssyncadd.s32 $0xFFFFFFE0  }
0x83: {  	v3 =	vld [tilespmem:$0x0];
	_ =	sdelay $0x4  }
0x84: {  	v60 =	vshll.u32 v3, $0x3  }
0x85: {  	v3 =	vand.u32 $0x7, v3;
	v4 =	vand.u32 $0xFFFFFFC0, v60  }
0x86: {  	v3 =	vor.u32 v3, v4  }
0x87: {  	v4 =	vperm.xlane v3, v0;
	_ =	sdelay $0x1  }
0x88: {  	v4 =	vadd.s32 v1, v4;
	_ =	sdelay $0x4  }
0x89: {  	[tilespmem:s26], [sflag:$0x1] =	stream.indirect_vreg.gather [hbm4b:s3+s2], $0x80, v4, vm0, $0xb8;
	[tilespmem:$0x10100] =	vst v63  }
0x8a: {  	v3 =	vperm.xlane v3, v2  }
0x8b: {  	[tilespmem:s22], [sflag:$0x1] =	stream.indirect_vreg.gather [hbm4b:s4+s2], $0x80, v4, vm0, $0xb8;
	[tilespmem:$0x10100] =	vst v63  }
0x8c: {  	v3 =	vadd.s32 v1, v3  }
0x8d: {  	[tilespmem:s23], [sflag:$0x1] =	stream.indirect_vreg.gather [hbm4b:s5+s2], $0x80, v4, vm0, $0xb8;
	[tilespmem:$0x10100] =	vst v63  }
0x8e: {  	_ = 	snop  }
0x8f: {  	[tilespmem:s24], [sflag:$0x1] =	stream.indirect_vreg.gather [hbm4b:s6+s2], $0x80, v4, vm0, $0xb8;
	[tilespmem:$0x10100] =	vst v63  }
0x90: {  	_ = 	snop  }
0x91: {  	[tilespmem:s25], [sflag:$0x1] =	stream.indirect_vreg.gather [hbm4b:s3+s2], $0x80, v3, vm0, $0xb8;
	[tilespmem:$0x10100] =	vst v63  }
0x92: {  	_ = 	snop  }
0x93: {  	[tilespmem:s28], [sflag:$0x1] =	stream.indirect_vreg.gather [hbm4b:s4+s2], $0x80, v3, vm0, $0xb8;
	[tilespmem:$0x10100] =	vst v63  }
0x94: {  	_ = 	snop  }
0x95: {  	[tilespmem:s29], [sflag:$0x1] =	stream.indirect_vreg.gather [hbm4b:s5+s2], $0x80, v3, vm0, $0xb8;
	[tilespmem:$0x10100] =	vst v63  }
0x96: {  	_ = 	snop  }
0x97: {  	[tilespmem:s30], [sflag:$0x1] =	stream.indirect_vreg.gather [hbm4b:s6+s2], $0x80, v3, vm0, $0xb8;
	[tilespmem:$0x10100] =	vst v63  }
0x98: {  	v3 =	vld [tilespmem:$0x10];
	_ =	sdelay $0x4  }
0x99: {  	v61 =	vshll.u32 v3, $0x3  }
0x9a: {  	v3 =	vand.u32 $0x7, v3;
	v4 =	vand.u32 $0xFFFFFFC0, v61  }
0x9b: {  	v3 =	vor.u32 v3, v4  }
0x9c: {  	v4 =	vperm.xlane v3, v0;
	_ =	sdelay $0x1  }
0x9d: {  	v4 =	vadd.s32 v1, v4;
	_ =	sdelay $0x4  }
0x9e: {  	[tilespmem:s31], [sflag:$0x1] =	stream.indirect_vreg.gather [hbm4b:s3+s2], $0x80, v4, vm0, $0xb8;
	[tilespmem:$0x10100] =	vst v63  }
0x9f: {  	v3 =	vperm.xlane v3, v2  }
0xa0: {  	[tilespmem:s9], [sflag:$0x1] =	stream.indirect_vreg.gather [hbm4b:s4+s2], $0x80, v4, vm0, $0xb8;
	[tilespmem:$0x10100] =	vst v63  }
0xa1: {  	v3 =	vadd.s32 v1, v3  }
0xa2: {  	[tilespmem:s1], [sflag:$0x1] =	stream.indirect_vreg.gather [hbm4b:s5+s2], $0x80, v4, vm0, $0xb8;
	[tilespmem:$0x10100] =	vst v63  }
0xa3: {  	_ = 	snop  }
0xa4: {  	[tilespmem:s10], [sflag:$0x1] =	stream.indirect_vreg.gather [hbm4b:s6+s2], $0x80, v4, vm0, $0xb8;
	[tilespmem:$0x10100] =	vst v63  }
0xa5: {  	_ = 	snop  }
0xa6: {  	[tilespmem:s11], [sflag:$0x1] =	stream.indirect_vreg.gather [hbm4b:s3+s2], $0x80, v3, vm0, $0xb8;
	[tilespmem:$0x10100] =	vst v63  }
0xa7: {  	_ = 	snop  }
0xa8: {  	[tilespmem:s12], [sflag:$0x1] =	stream.indirect_vreg.gather [hbm4b:s4+s2], $0x80, v3, vm0, $0xb8;
	[tilespmem:$0x10100] =	vst v63  }
0xa9: {  	_ = 	snop  }
0xaa: {  	[tilespmem:s13], [sflag:$0x1] =	stream.indirect_vreg.gather [hbm4b:s5+s2], $0x80, v3, vm0, $0xb8;
	[tilespmem:$0x10100] =	vst v63  }
0xab: {  	_ = 	snop  }
0xac: {  	[tilespmem:s14], [sflag:$0x1] =	stream.indirect_vreg.gather [hbm4b:s6+s2], $0x80, v3, vm0, $0xb8;
	[tilespmem:$0x10100] =	vst v63  }
0xad: {  	_ =	swait.ge [sflag:s20], $0x8000  }
0xae: {  	[sflag:s20] =	ssyncset.done $0x0  }
0xaf: {  	s1 =	rddreg [dreg:$0x7];
	[sflag:s20] =	ssyncadd.s32 $0xFFFF8000  }
0xb0: {  	[hbm4b:s1+s2] =	stream.linear.scatter [tilespmem:s0], [sflag:$0x3], $0x8000, $0x38;
	[tilespmem:$0x10100] =	vst v63  }
0xb1: {  	_ =	swait.ge [sflag:s8], $0x8000  }
0xb2: {  	[sflag:s8] =	ssyncset.done $0x0  }
0xb3: {  	s1 =	rddreg [dreg:$0x8];
	[sflag:s8] =	ssyncadd.s32 $0xFFFF8000  }
0xb4: {  	[tilespmem:s15], [sflag:$0x3] =	stream.linear.gather [hbm4b:s1+s2], $0x20, $0x38;
	[tilespmem:$0x10100] =	vst v63  }
0xb5: {  	_ =	swait.ge [sflag:s8], $0x20  }
0xb6: {  	[sflag:s8] =	ssyncset.done $0x0  }
0xb7: {  	[sflag:s8] =	ssyncadd.s32 $0xFFFFFFE0  }
0xb8: {  	v3 =	vld [tilespmem:$0x80];
	_ =	sdelay $0x4  }
0xb9: {  	v62 =	vshll.u32 v3, $0x3  }
0xba: {  	v3 =	vand.u32 $0x7, v3;
	v4 =	vand.u32 $0xFFFFFFC0, v62  }
0xbb: {  	v3 =	vor.u32 v3, v4  }
0xbc: {  	v4 =	vperm.xlane v3, v0;
	_ =	sdelay $0x1  }
0xbd: {  	v4 =	vadd.s32 v1, v4;
	_ =	sdelay $0x4  }
0xbe: {  	[tilespmem:s0], [sflag:$0x2] =	stream.indirect_vreg.gather [hbm4b:s3+s2], $0x80, v4, vm0, $0xb8;
	[tilespmem:$0x10100] =	vst v63  }
0xbf: {  	v3 =	vperm.xlane v3, v2  }
0xc0: {  	[tilespmem:s16], [sflag:$0x2] =	stream.indirect_vreg.gather [hbm4b:s4+s2], $0x80, v4, vm0, $0xb8;
	[tilespmem:$0x10100] =	vst v63  }
0xc1: {  	v3 =	vadd.s32 v1, v3  }
0xc2: {  	[tilespmem:s17], [sflag:$0x2] =	stream.indirect_vreg.gather [hbm4b:s5+s2], $0x80, v4, vm0, $0xb8;
	[tilespmem:$0x10100] =	vst v63  }
0xc3: {  	_ = 	snop  }
0xc4: {  	[tilespmem:s18], [sflag:$0x2] =	stream.indirect_vreg.gather [hbm4b:s6+s2], $0x80, v4, vm0, $0xb8;
	[tilespmem:$0x10100] =	vst v63  }
0xc5: {  	s21 =	simm.s32 $0xA100  }
0xc6: {  	[tilespmem:s21], [sflag:$0x2] =	stream.indirect_vreg.gather [hbm4b:s3+s2], $0x80, v3, vm0, $0xb8;
	[tilespmem:$0x10100] =	vst v63  }
0xc7: {  	s21 =	simm.s32 $0xA900  }
0xc8: {  	[tilespmem:s21], [sflag:$0x2] =	stream.indirect_vreg.gather [hbm4b:s4+s2], $0x80, v3, vm0, $0xb8;
	[tilespmem:$0x10100] =	vst v63  }
0xc9: {  	s21 =	simm.s32 $0xB100  }
0xca: {  	[tilespmem:s21], [sflag:$0x2] =	stream.indirect_vreg.gather [hbm4b:s5+s2], $0x80, v3, vm0, $0xb8;
	[tilespmem:$0x10100] =	vst v63  }
0xcb: {  	s21 =	simm.s32 $0xB900  }
0xcc: {  	[tilespmem:s21], [sflag:$0x2] =	stream.indirect_vreg.gather [hbm4b:s6+s2], $0x80, v3, vm0, $0xb8;
	[tilespmem:$0x10100] =	vst v63  }
0xcd: {  	v3 =	vld [tilespmem:$0x90];
	_ =	sdelay $0x4  }
0xce: {  	v63 =	vshll.u32 v3, $0x3  }
0xcf: {  	v3 =	vand.u32 $0x7, v3;
	v4 =	vand.u32 $0xFFFFFFC0, v63  }
0xd0: {  	v3 =	vor.u32 v3, v4  }
0xd1: {  	v4 =	vperm.xlane v3, v0;
	_ =	sdelay $0x1  }
0xd2: {  	v4 =	vadd.s32 v1, v4;
	_ =	sdelay $0x3  }
0xd3: {  	s21 =	simm.s32 $0xC100  }
0xd4: {  	[tilespmem:s21], [sflag:$0x2] =	stream.indirect_vreg.gather [hbm4b:s3+s2], $0x80, v4, vm0, $0xb8;
	[tilespmem:$0x10100] =	vst v63  }
0xd5: {  	v3 =	vperm.xlane v3, v2;
	s21 =	simm.s32 $0xC900  }
0xd6: {  	[tilespmem:s21], [sflag:$0x2] =	stream.indirect_vreg.gather [hbm4b:s4+s2], $0x80, v4, vm0, $0xb8;
	[tilespmem:$0x10100] =	vst v63  }
0xd7: {  	v3 =	vadd.s32 v1, v3;
	s21 =	simm.s32 $0xD100  }
0xd8: {  	[tilespmem:s21], [sflag:$0x2] =	stream.indirect_vreg.gather [hbm4b:s5+s2], $0x80, v4, vm0, $0xb8;
	[tilespmem:$0x10100] =	vst v63  }
0xd9: {  	s21 =	simm.s32 $0xD900  }
0xda: {  	[tilespmem:s21], [sflag:$0x2] =	stream.indirect_vreg.gather [hbm4b:s6+s2], $0x80, v4, vm0, $0xb8;
	[tilespmem:$0x10100] =	vst v63  }
0xdb: {  	s21 =	simm.s32 $0xE100  }
0xdc: {  	[tilespmem:s21], [sflag:$0x2] =	stream.indirect_vreg.gather [hbm4b:s3+s2], $0x80, v3, vm0, $0xb8;
	[tilespmem:$0x10100] =	vst v63  }
0xdd: {  	s21 =	simm.s32 $0xE900  }
0xde: {  	[tilespmem:s21], [sflag:$0x2] =	stream.indirect_vreg.gather [hbm4b:s4+s2], $0x80, v3, vm0, $0xb8;
	[tilespmem:$0x10100] =	vst v63  }
0xdf: {  	s21 =	simm.s32 $0xF100  }
0xe0: {  	[tilespmem:s21], [sflag:$0x2] =	stream.indirect_vreg.gather [hbm4b:s5+s2], $0x80, v3, vm0, $0xb8;
	[tilespmem:$0x10100] =	vst v63  }
0xe1: {  	s21 =	simm.s32 $0xF900  }
0xe2: {  	[tilespmem:s21], [sflag:$0x2] =	stream.indirect_vreg.gather [hbm4b:s6+s2], $0x80, v3, vm0, $0xb8;
	[tilespmem:$0x10100] =	vst v63  }
0xe3: {  	_ =	swait.ge [sflag:s19], $0x8000  }
0xe4: {  	[sflag:s19] =	ssyncset.done $0x0  }
0xe5: {  	s1 =	rddreg [dreg:$0x9];
	[sflag:s19] =	ssyncadd.s32 $0xFFFF8000  }
0xe6: {  	[hbm4b:s1+s2] =	stream.linear.scatter [tilespmem:s26], [sflag:$0x3], $0x8000, $0x38;
	[tilespmem:$0x10100] =	vst v63  }
0xe7: {  	_ =	swait.ge [sflag:s8], $0x8000  }
0xe8: {  	[sflag:s8] =	ssyncset.done $0x0  }
0xe9: {  	[sflag:s8] =	ssyncadd.s32 $0xFFFF8000  }
0xea: {  	_ =	swait.ge [sflag:s20], $0x8000  }
0xeb: {  	p0 =	sne.s32 s7, $0x1;
	[sflag:s20] =	ssyncset.done $0x0  }
.Ltmp0:
0xec: {  	s1 =	rddreg [dreg:$0xa];
	[sflag:s20] =	ssyncadd.s32 $0xFFFF8000;
	(pc) =	sbr.rel @p0 .LBB2_1-.Ltmp0, $4  }
0xed: {  	[hbm4b:s1+s2] =	stream.linear.scatter [tilespmem:s0], [sflag:$0x3], $0x8000, $0x38;
	[tilespmem:$0x10100] =	vst v63  }
0xee: {  	_ =	swait.ge [sflag:s8], $0x8000  }
0xef: {  	[sflag:s8] =	ssyncset.done $0x0  }
0xf0: {  	s7 =	sadd.s32 $0xFFFFFFFF, s7;
	[sflag:s8] =	ssyncadd.s32 $0xFFFF8000  }
0xf1: {  	_ =	sfence.sel $0x180000  }
0xf2: {  	[bflag:$0x0] =	sbarrier.arrive $0xFFFF  }
0xf3: {  	_ =	strace $0x9000004A  }
0xf4: {  	s0 =	stileid.u32;
	[bflag:$0x2] =	sbarrier.arrive $0xFFFF  }
0xf5: {  	p0 =	sne.s32 s0, $0x0;
	s0 =	rddreg [dreg:$0x2]  }
0xf6: {  	s0 =	sadd.s32 @!p0 $0x100000, s0  }
0xf7: {  	[sflag:s0] =	ssyncadd.tile.s32 @!p0 $0x1;
	_ =	shalt  }
.Lfunc_end2:
_tile_overlayer_lowered:
.L_overlay_start_2:
0xf8: {  	(tag) =	ssettag $0x2  }
0xf9: {  	s0 =	rddreg [dreg:$0x0];
	s2 =	stileid.u32  }
0xfa: {  	s1 =	rddreg [dreg:$0x1];
	p0 =	sne.s32 s2, $0x0  }
0xfb: {  	s3 =	rddreg [dreg:$0x2];
	[bflag:$0x3] =	sbarrier.arrive $0xFFFF;
	s2 =	simm.s32 @!p0 $0x1C03  }
0xfc: {  	[timem:s3], [sflag:s2] =	dma.local @!p0 [hbm:s0], s1  }
0xfd: {  	s0 =	simm.s32 @!p0 $0x3  }
0xfe: {  	_ =	swait.ge @!p0 [sflag:s0], s1  }
0xff: {  	s1 =	ssub.s32 @!p0 $0x0, s1;
	[sflag:s0] =	ssyncset.done @!p0 $0x0  }
0x100: {  	[sflag:s0] =	ssyncadd.s32 @!p0 s1  }
0x101: {  	[bflag:$0x3] =	sbarrier.arrive $0xFFFF  }
0x102: {  	_ =	shalt  }

</sc_bundles>
